<compile_context>
chip_gen: v7x
topology: tpu7x:2x2x1
jax: 0.10.2.dev20260603
libtpu: 0.0.44.dev20260713+nightly
codegen_flags: <defaults>
</compile_context>

<pallas_src>
import functools

import jax
import jax.numpy as jnp
from jax import lax
from jax.experimental import pallas as pl
from jax.experimental.pallas import tpu as pltpu
from jax.experimental.pallas import tpu_sc as plsc

NUM_ITEM = 1000000
EMBED_DIM = 32
BATCH = 16384

_NC = 2
_NS = 16
_NW = _NC * _NS
_BPW = BATCH // _NW
_LANES = 128
_G = 16
_DEPTH = 8
_NGRP = _BPW // _G


def _gather_body(table_t_hbm, idx_hbm, out_hbm, idx_v, blocks_v, out_v, sems):
    wid = lax.axis_index("s") * _NC + lax.axis_index("c")
    base = wid * _BPW
    pltpu.sync_copy(idx_hbm.at[pl.ds(base, _BPW)], idx_v.at[pl.ds(0, _BPW)])

    def issue(i, slot):
        q = pl.multiple_of((i >> 7) << 7, _LANES)
        pltpu.async_copy(
            table_t_hbm.at[:, pl.ds(q, _LANES)], blocks_v.at[slot],
            sems.at[slot],
        )

    d_lo = lax.iota(jnp.int32, 16)
    d_hi = d_lo + 16

    vec0 = idx_v[pl.ds(0, _G)]
    for k in range(_DEPTH):
        issue(vec0[k], k)

    def step(g, vec_cur):
        vec_next = idx_v[pl.ds((g + 1) * _G, _G)]
        for j in range(_G):
            slot = j % _DEPTH
            pltpu.make_async_copy(
                table_t_hbm.at[:, pl.ds(0, _LANES)], blocks_v.at[slot],
                sems.at[slot],
            ).wait()
            i = vec_cur[j]
            b = g * _G + j
            r = jnp.full((16,), i & 127, jnp.int32)
            s = jnp.full((16,), slot, jnp.int32)
            c = jnp.full((16,), b, jnp.int32)
            lo = plsc.load_gather(blocks_v, [s, d_lo, r])
            hi = plsc.load_gather(blocks_v, [s, d_hi, r])
            plsc.store_scatter(out_v, [d_lo, c], lo)
            plsc.store_scatter(out_v, [d_hi, c], hi)
            if j < _G - _DEPTH:
                nxt = vec_cur[j + _DEPTH]
            else:
                nxt = vec_next[j - (_G - _DEPTH)]

            @pl.when(b + _DEPTH < _BPW)
            def _():
                issue(nxt, slot)

        return vec_next

    lax.fori_loop(0, _NGRP, step, vec0)
    pltpu.sync_copy(out_v, out_hbm.at[:, pl.ds(base, _BPW)])


@jax.jit
def _lookup(table_t, idx):
    run = functools.partial(
        pl.kernel,
        out_type=jax.ShapeDtypeStruct((EMBED_DIM, BATCH), jnp.float32),
        mesh=plsc.VectorSubcoreMesh(core_axis_name="c", subcore_axis_name="s"),
        scratch_types=[
            pltpu.VMEM((_BPW + _G,), jnp.int32),
            pltpu.VMEM((_DEPTH, EMBED_DIM, _LANES), jnp.float32),
            pltpu.VMEM((EMBED_DIM, _BPW), jnp.float32),
            pltpu.SemaphoreType.DMA((_DEPTH,)),
        ],
        compiler_params=pltpu.CompilerParams(
            needs_layout_passes=False, skip_device_barrier=True,
        ),
    )(_gather_body)
    return run(table_t, idx)


def kernel(item_fea, table):
    idx = item_fea[:, 0].astype(jnp.int32)
    out_t = _lookup(table.T, idx)
    return out_t.T

# --- scband reference (transcript-rebuilt; emitter-appended) ---
"""Pipeline reference for scband-item-embedding-db-id-23527830848128 (READ-ONLY COPY).

The authoritative reference and input builder live on the scoring server;
editing this copy changes nothing except your own understanding.
"""

import jax, jax.numpy as jnp
import numpy as np

NUM_ITEM = 1000000
EMBED_DIM = 32
BATCH = 16384
N_COLS = 8


def setup_inputs(seed: int = 0) -> dict:
    key = jax.random.key(seed)
    k1, k2 = jax.random.split(key)
    item_fea = jax.random.randint(k1, (BATCH, N_COLS), 0, NUM_ITEM, dtype=jnp.int64 if jax.config.jax_enable_x64 else jnp.int32)
    table = jax.random.normal(k2, (NUM_ITEM, EMBED_DIM), dtype=jnp.float32)
    return {"item_fea": item_fea, "table": table}


def reference(item_fea, table):
    # Faithful translation of ItemEmbeddingDB_ID.forward:
    # take column 0 as the item ID index and gather embeddings.
    itemId_idx = item_fea[:, 0]
    itemId_emb = jnp.take(table, itemId_idx, axis=0)
    return itemId_emb

if __name__ == "__main__":
    import jax
    _d = setup_inputs()
    print(jax.jit(kernel)(*tuple(_d.values())))

</pallas_src>

<mosaic_0001>
#map = affine_map<(d0, d1) -> (0, 0)>
#map1 = affine_map<(d0, d1) -> (0)>
module attributes {stable_mosaic.version = 14 : i64} {
  func.func @_gather_body(%arg0: i32, %arg1: i32, %arg2: memref<32x1000000xf32, #tpu.memory_space<hbm>>, %arg3: memref<16384xi32, #tpu.memory_space<hbm>>, %arg4: memref<32x16384xf32, #tpu.memory_space<hbm>>, %arg5: memref<528xi32, #tpu.memory_space<vmem>>, %arg6: memref<8x32x128xf32, #tpu.memory_space<vmem>>, %arg7: memref<32x512xf32, #tpu.memory_space<vmem>>, %arg8: memref<8x!tpu.dma_semaphore, #tpu.memory_space<semaphore_mem>>) attributes {dimension_semantics = [#tpu.dimension_semantics<core_parallel>, #tpu.dimension_semantics<subcore_parallel>], iteration_bounds = array<i64: 2, 16>, scalar_prefetch = 0 : i64, scratch_operands = 4 : i64, tpu.core_type = #tpu.core_type<sc_vector_subcore>, window_params = [{transform_indices = #map}, {transform_indices = #map1}, {transform_indices = #map}]} {
    %mul3A = arith.constant 2 : i32
    %mul3A_0 = arith.muli %arg1, %mul3A : i32
    %add3A = arith.addi %mul3A_0, %arg0 : i32
    %mul3A_1 = arith.constant 512 : i32
    %mul3A_2 = arith.muli %add3A, %mul3A_1 : i32
    "tpu.region"() ({
      %run_scoped3A = tpu.sem_alloc : memref<!tpu.dma_semaphore, #tpu.memory_space<semaphore_mem>>
      %dma_start3A_190 = arith.constant 0 : i32
      %dma_start3A_191 = tpu.memref_slice %arg5[%dma_start3A_190] : memref<528xi32, #tpu.memory_space<vmem>> -> memref<512xi32, #tpu.memory_space<vmem>>
      %dma_start3A_192 = tpu.memref_slice %arg3[%mul3A_2] : memref<16384xi32, #tpu.memory_space<hbm>> -> memref<512xi32, #tpu.memory_space<hbm>>
      %dma_start3A_193 = arith.constant 0 : i32
      %dma_start3A_194 = tpu.memref_slice %arg5[%dma_start3A_193] : memref<528xi32, #tpu.memory_space<vmem>> -> memref<512xi32, #tpu.memory_space<vmem>>
      %dma_start3A_195 = tpu.memref_slice %arg3[%mul3A_2] : memref<16384xi32, #tpu.memory_space<hbm>> -> memref<512xi32, #tpu.memory_space<hbm>>
      tpu.enqueue_dma source(%dma_start3A_195 : memref<512xi32, #tpu.memory_space<hbm>>) target(%dma_start3A_194 : memref<512xi32, #tpu.memory_space<vmem>>) target_semaphore(%run_scoped3A : memref<!tpu.dma_semaphore, #tpu.memory_space<semaphore_mem>>)
      %dma_wait3A = arith.constant 0 : i32
      %dma_wait3A_196 = tpu.memref_slice %arg5[%dma_wait3A] : memref<528xi32, #tpu.memory_space<vmem>> -> memref<512xi32, #tpu.memory_space<vmem>>
      %dma_wait3A_197 = tpu.memref_slice %arg3[%mul3A_2] : memref<16384xi32, #tpu.memory_space<hbm>> -> memref<512xi32, #tpu.memory_space<hbm>>
      %dma_wait3A_198 = arith.constant 0 : i32
      %dma_wait3A_199 = tpu.memref_slice %arg5[%dma_wait3A_198] : memref<528xi32, #tpu.memory_space<vmem>> -> memref<512xi32, #tpu.memory_space<vmem>>
      %dma_wait3A_200 = tpu.memref_slice %arg3[%mul3A_2] : memref<16384xi32, #tpu.memory_space<hbm>> -> memref<512xi32, #tpu.memory_space<hbm>>
      tpu.wait_dma2 semaphore(%run_scoped3A : memref<!tpu.dma_semaphore, #tpu.memory_space<semaphore_mem>>) src(%dma_wait3A_200 : memref<512xi32, #tpu.memory_space<hbm>>) dst(%dma_wait3A_199 : memref<512xi32, #tpu.memory_space<vmem>>)
      tpu.yield
    }) : () -> ()
    %iota3A = tpu.iota {dimensions = array<i32: 0>} : vector<16xi32>
    %add3A_3 = arith.constant 16 : i32
    %add3A_4 = vector.broadcast %add3A_3 : i32 to vector<16xi32>
    %add3A_5 = arith.addi %iota3A, %add3A_4 : vector<16xi32>
    %get3A = arith.constant 0 : index
    %get3A_6 = tpu.vector_load %arg5[%get3A] {strides = array<i32>} : memref<528xi32, #tpu.memory_space<vmem>>, vector<16xi32>,
    %slice3A = vector.extract_strided_slice %get3A_6 {offsets = [0], sizes = [1], strides = [1]} : vector<16xi32> to vector<1xi32>
    %squeeze3A = vector.extract %slice3A[0] : i32 from vector<1xi32>
    %shift_right_arithmetic3A = arith.constant 7 : i32
    %shift_right_arithmetic3A_7 = arith.shrsi %squeeze3A, %shift_right_arithmetic3A : i32
    %shift_left3A = arith.constant 7 : i32
    %shift_left3A_8 = arith.shli %shift_right_arithmetic3A_7, %shift_left3A : i32
    %multiple_of3A = tpu.assume_multiple %shift_left3A_8, 128 : i32
    %dma_start3A = arith.constant 0 : i32
    %dma_start3A_9 = arith.constant 0 : i32
    %dma_start3A_10 = arith.constant 0 : i32
    %dma_start3A_11 = arith.constant 0 : i32
    %dma_start3A_12 = tpu.memref_slice %arg6[%dma_start3A, %dma_start3A_10, %dma_start3A_11] : memref<8x32x128xf32, #tpu.memory_space<vmem>> -> memref<1x32x128xf32, #tpu.memory_space<vmem>>
    %dma_start3A_13 = tpu.memref_squeeze %dma_start3A_12 : memref<1x32x128xf32, #tpu.memory_space<vmem>> -> memref<32x128xf32, #tpu.memory_space<vmem>>
    %dma_start3A_14 = arith.constant 0 : i32
    %dma_start3A_15 = tpu.memref_slice %arg2[%dma_start3A_14, %multiple_of3A] : memref<32x1000000xf32, #tpu.memory_space<hbm>> -> memref<32x128xf32, #tpu.memory_space<hbm>>
    %dma_start3A_16 = tpu.memref_slice %arg8[%dma_start3A_9] : memref<8x!tpu.dma_semaphore, #tpu.memory_space<semaphore_mem>> -> memref<1x!tpu.dma_semaphore, #tpu.memory_space<semaphore_mem>>
    %dma_start3A_17 = tpu.memref_squeeze %dma_start3A_16 : memref<1x!tpu.dma_semaphore, #tpu.memory_space<semaphore_mem>> -> memref<!tpu.dma_semaphore, #tpu.memory_space<semaphore_mem>>
    %dma_start3A_18 = arith.constant 0 : i32
    %dma_start3A_19 = arith.constant 0 : i32
    %dma_start3A_20 = tpu.memref_slice %arg6[%dma_start3A, %dma_start3A_18, %dma_start3A_19] : memref<8x32x128xf32, #tpu.memory_space<vmem>> -> memref<1x32x128xf32, #tpu.memory_space<vmem>>
    %dma_start3A_21 = tpu.memref_squeeze %dma_start3A_20 : memref<1x32x128xf32, #tpu.memory_space<vmem>> -> memref<32x128xf32, #tpu.memory_space<vmem>>
    %dma_start3A_22 = arith.constant 0 : i32
    %dma_start3A_23 = tpu.memref_slice %arg2[%dma_start3A_22, %multiple_of3A] : memref<32x1000000xf32, #tpu.memory_space<hbm>> -> memref<32x128xf32, #tpu.memory_space<hbm>>
    tpu.enqueue_dma source(%dma_start3A_23 : memref<32x128xf32, #tpu.memory_space<hbm>>) target(%dma_start3A_21 : memref<32x128xf32, #tpu.memory_space<vmem>>) target_semaphore(%dma_start3A_17 : memref<!tpu.dma_semaphore, #tpu.memory_space<semaphore_mem>>)
    %slice3A_24 = vector.extract_strided_slice %get3A_6 {offsets = [1], sizes = [1], strides = [1]} : vector<16xi32> to vector<1xi32>
    %squeeze3A_25 = vector.extract %slice3A_24[0] : i32 from vector<1xi32>
    %shift_right_arithmetic3A_26 = arith.constant 7 : i32
    %shift_right_arithmetic3A_27 = arith.shrsi %squeeze3A_25, %shift_right_arithmetic3A_26 : i32
    %shift_left3A_28 = arith.constant 7 : i32
    %shift_left3A_29 = arith.shli %shift_right_arithmetic3A_27, %shift_left3A_28 : i32
    %multiple_of3A_30 = tpu.assume_multiple %shift_left3A_29, 128 : i32
    %dma_start3A_31 = arith.constant 1 : i32
    %dma_start3A_32 = arith.constant 1 : i32
    %dma_start3A_33 = arith.constant 0 : i32
    %dma_start3A_34 = arith.constant 0 : i32
    %dma_start3A_35 = tpu.memref_slice %arg6[%dma_start3A_31, %dma_start3A_33, %dma_start3A_34] : memref<8x32x128xf32, #tpu.memory_space<vmem>> -> memref<1x32x128xf32, #tpu.memory_space<vmem>>
    %dma_start3A_36 = tpu.memref_squeeze %dma_start3A_35 : memref<1x32x128xf32, #tpu.memory_space<vmem>> -> memref<32x128xf32, #tpu.memory_space<vmem>>
    %dma_start3A_37 = arith.constant 0 : i32
    %dma_start3A_38 = tpu.memref_slice %arg2[%dma_start3A_37, %multiple_of3A_30] : memref<32x1000000xf32, #tpu.memory_space<hbm>> -> memref<32x128xf32, #tpu.memory_space<hbm>>
    %dma_start3A_39 = tpu.memref_slice %arg8[%dma_start3A_32] : memref<8x!tpu.dma_semaphore, #tpu.memory_space<semaphore_mem>> -> memref<1x!tpu.dma_semaphore, #tpu.memory_space<semaphore_mem>>
    %dma_start3A_40 = tpu.memref_squeeze %dma_start3A_39 : memref<1x!tpu.dma_semaphore, #tpu.memory_space<semaphore_mem>> -> memref<!tpu.dma_semaphore, #tpu.memory_space<semaphore_mem>>
    %dma_start3A_41 = arith.constant 0 : i32
    %dma_start3A_42 = arith.constant 0 : i32
    %dma_start3A_43 = tpu.memref_slice %arg6[%dma_start3A_31, %dma_start3A_41, %dma_start3A_42] : memref<8x32x128xf32, #tpu.memory_space<vmem>> -> memref<1x32x128xf32, #tpu.memory_space<vmem>>
    %dma_start3A_44 = tpu.memref_squeeze %dma_start3A_43 : memref<1x32x128xf32, #tpu.memory_space<vmem>> -> memref<32x128xf32, #tpu.memory_space<vmem>>
    %dma_start3A_45 = arith.constant 0 : i32
    %dma_start3A_46 = tpu.memref_slice %arg2[%dma_start3A_45, %multiple_of3A_30] : memref<32x1000000xf32, #tpu.memory_space<hbm>> -> memref<32x128xf32, #tpu.memory_space<hbm>>
    tpu.enqueue_dma source(%dma_start3A_46 : memref<32x128xf32, #tpu.memory_space<hbm>>) target(%dma_start3A_44 : memref<32x128xf32, #tpu.memory_space<vmem>>) target_semaphore(%dma_start3A_40 : memref<!tpu.dma_semaphore, #tpu.memory_space<semaphore_mem>>)
    %slice3A_47 = vector.extract_strided_slice %get3A_6 {offsets = [2], sizes = [1], strides = [1]} : vector<16xi32> to vector<1xi32>
    %squeeze3A_48 = vector.extract %slice3A_47[0] : i32 from vector<1xi32>
    %shift_right_arithmetic3A_49 = arith.constant 7 : i32
    %shift_right_arithmetic3A_50 = arith.shrsi %squeeze3A_48, %shift_right_arithmetic3A_49 : i32
    %shift_left3A_51 = arith.constant 7 : i32
    %shift_left3A_52 = arith.shli %shift_right_arithmetic3A_50, %shift_left3A_51 : i32
    %multiple_of3A_53 = tpu.assume_multiple %shift_left3A_52, 128 : i32
    %dma_start3A_54 = arith.constant 2 : i32
    %dma_start3A_55 = arith.constant 2 : i32
    %dma_start3A_56 = arith.constant 0 : i32
    %dma_start3A_57 = arith.constant 0 : i32
    %dma_start3A_58 = tpu.memref_slice %arg6[%dma_start3A_54, %dma_start3A_56, %dma_start3A_57] : memref<8x32x128xf32, #tpu.memory_space<vmem>> -> memref<1x32x128xf32, #tpu.memory_space<vmem>>
    %dma_start3A_59 = tpu.memref_squeeze %dma_start3A_58 : memref<1x32x128xf32, #tpu.memory_space<vmem>> -> memref<32x128xf32, #tpu.memory_space<vmem>>
    %dma_start3A_60 = arith.constant 0 : i32
    %dma_start3A_61 = tpu.memref_slice %arg2[%dma_start3A_60, %multiple_of3A_53] : memref<32x1000000xf32, #tpu.memory_space<hbm>> -> memref<32x128xf32, #tpu.memory_space<hbm>>
    %dma_start3A_62 = tpu.memref_slice %arg8[%dma_start3A_55] : memref<8x!tpu.dma_semaphore, #tpu.memory_space<semaphore_mem>> -> memref<1x!tpu.dma_semaphore, #tpu.memory_space<semaphore_mem>>
    %dma_start3A_63 = tpu.memref_squeeze %dma_start3A_62 : memref<1x!tpu.dma_semaphore, #tpu.memory_space<semaphore_mem>> -> memref<!tpu.dma_semaphore, #tpu.memory_space<semaphore_mem>>
    %dma_start3A_64 = arith.constant 0 : i32
    %dma_start3A_65 = arith.constant 0 : i32
    %dma_start3A_66 = tpu.memref_slice %arg6[%dma_start3A_54, %dma_start3A_64, %dma_start3A_65] : memref<8x32x128xf32, #tpu.memory_space<vmem>> -> memref<1x32x128xf32, #tpu.memory_space<vmem>>
    %dma_start3A_67 = tpu.memref_squeeze %dma_start3A_66 : memref<1x32x128xf32, #tpu.memory_space<vmem>> -> memref<32x128xf32, #tpu.memory_space<vmem>>
    %dma_start3A_68 = arith.constant 0 : i32
    %dma_start3A_69 = tpu.memref_slice %arg2[%dma_start3A_68, %multiple_of3A_53] : memref<32x1000000xf32, #tpu.memory_space<hbm>> -> memref<32x128xf32, #tpu.memory_space<hbm>>
    tpu.enqueue_dma source(%dma_start3A_69 : memref<32x128xf32, #tpu.memory_space<hbm>>) target(%dma_start3A_67 : memref<32x128xf32, #tpu.memory_space<vmem>>) target_semaphore(%dma_start3A_63 : memref<!tpu.dma_semaphore, #tpu.memory_space<semaphore_mem>>)
    %slice3A_70 = vector.extract_strided_slice %get3A_6 {offsets = [3], sizes = [1], strides = [1]} : vector<16xi32> to vector<1xi32>
    %squeeze3A_71 = vector.extract %slice3A_70[0] : i32 from vector<1xi32>
    %shift_right_arithmetic3A_72 = arith.constant 7 : i32
    %shift_right_arithmetic3A_73 = arith.shrsi %squeeze3A_71, %shift_right_arithmetic3A_72 : i32
    %shift_left3A_74 = arith.constant 7 : i32
    %shift_left3A_75 = arith.shli %shift_right_arithmetic3A_73, %shift_left3A_74 : i32
    %multiple_of3A_76 = tpu.assume_multiple %shift_left3A_75, 128 : i32
    %dma_start3A_77 = arith.constant 3 : i32
    %dma_start3A_78 = arith.constant 3 : i32
    %dma_start3A_79 = arith.constant 0 : i32
    %dma_start3A_80 = arith.constant 0 : i32
    %dma_start3A_81 = tpu.memref_slice %arg6[%dma_start3A_77, %dma_start3A_79, %dma_start3A_80] : memref<8x32x128xf32, #tpu.memory_space<vmem>> -> memref<1x32x128xf32, #tpu.memory_space<vmem>>
    %dma_start3A_82 = tpu.memref_squeeze %dma_start3A_81 : memref<1x32x128xf32, #tpu.memory_space<vmem>> -> memref<32x128xf32, #tpu.memory_space<vmem>>
    %dma_start3A_83 = arith.constant 0 : i32
    %dma_start3A_84 = tpu.memref_slice %arg2[%dma_start3A_83, %multiple_of3A_76] : memref<32x1000000xf32, #tpu.memory_space<hbm>> -> memref<32x128xf32, #tpu.memory_space<hbm>>
    %dma_start3A_85 = tpu.memref_slice %arg8[%dma_start3A_78] : memref<8x!tpu.dma_semaphore, #tpu.memory_space<semaphore_mem>> -> memref<1x!tpu.dma_semaphore, #tpu.memory_space<semaphore_mem>>
    %dma_start3A_86 = tpu.memref_squeeze %dma_start3A_85 : memref<1x!tpu.dma_semaphore, #tpu.memory_space<semaphore_mem>> -> memref<!tpu.dma_semaphore, #tpu.memory_space<semaphore_mem>>
    %dma_start3A_87 = arith.constant 0 : i32
    %dma_start3A_88 = arith.constant 0 : i32
    %dma_start3A_89 = tpu.memref_slice %arg6[%dma_start3A_77, %dma_start3A_87, %dma_start3A_88] : memref<8x32x128xf32, #tpu.memory_space<vmem>> -> memref<1x32x128xf32, #tpu.memory_space<vmem>>
    %dma_start3A_90 = tpu.memref_squeeze %dma_start3A_89 : memref<1x32x128xf32, #tpu.memory_space<vmem>> -> memref<32x128xf32, #tpu.memory_space<vmem>>
    %dma_start3A_91 = arith.constant 0 : i32
    %dma_start3A_92 = tpu.memref_slice %arg2[%dma_start3A_91, %multiple_of3A_76] : memref<32x1000000xf32, #tpu.memory_space<hbm>> -> memref<32x128xf32, #tpu.memory_space<hbm>>
    tpu.enqueue_dma source(%dma_start3A_92 : memref<32x128xf32, #tpu.memory_space<hbm>>) target(%dma_start3A_90 : memref<32x128xf32, #tpu.memory_space<vmem>>) target_semaphore(%dma_start3A_86 : memref<!tpu.dma_semaphore, #tpu.memory_space<semaphore_mem>>)
    %slice3A_93 = vector.extract_strided_slice %get3A_6 {offsets = [4], sizes = [1], strides = [1]} : vector<16xi32> to vector<1xi32>
    %squeeze3A_94 = vector.extract %slice3A_93[0] : i32 from vector<1xi32>
    %shift_right_arithmetic3A_95 = arith.constant 7 : i32
    %shift_right_arithmetic3A_96 = arith.shrsi %squeeze3A_94, %shift_right_arithmetic3A_95 : i32
    %shift_left3A_97 = arith.constant 7 : i32
    %shift_left3A_98 = arith.shli %shift_right_arithmetic3A_96, %shift_left3A_97 : i32
    %multiple_of3A_99 = tpu.assume_multiple %shift_left3A_98, 128 : i32
    %dma_start3A_100 = arith.constant 4 : i32
    %dma_start3A_101 = arith.constant 4 : i32
    %dma_start3A_102 = arith.constant 0 : i32
    %dma_start3A_103 = arith.constant 0 : i32
    %dma_start3A_104 = tpu.memref_slice %arg6[%dma_start3A_100, %dma_start3A_102, %dma_start3A_103] : memref<8x32x128xf32, #tpu.memory_space<vmem>> -> memref<1x32x128xf32, #tpu.memory_space<vmem>>
    %dma_start3A_105 = tpu.memref_squeeze %dma_start3A_104 : memref<1x32x128xf32, #tpu.memory_space<vmem>> -> memref<32x128xf32, #tpu.memory_space<vmem>>
    %dma_start3A_106 = arith.constant 0 : i32
    %dma_start3A_107 = tpu.memref_slice %arg2[%dma_start3A_106, %multiple_of3A_99] : memref<32x1000000xf32, #tpu.memory_space<hbm>> -> memref<32x128xf32, #tpu.memory_space<hbm>>
    %dma_start3A_108 = tpu.memref_slice %arg8[%dma_start3A_101] : memref<8x!tpu.dma_semaphore, #tpu.memory_space<semaphore_mem>> -> memref<1x!tpu.dma_semaphore, #tpu.memory_space<semaphore_mem>>
    %dma_start3A_109 = tpu.memref_squeeze %dma_start3A_108 : memref<1x!tpu.dma_semaphore, #tpu.memory_space<semaphore_mem>> -> memref<!tpu.dma_semaphore, #tpu.memory_space<semaphore_mem>>
    %dma_start3A_110 = arith.constant 0 : i32
    %dma_start3A_111 = arith.constant 0 : i32
    %dma_start3A_112 = tpu.memref_slice %arg6[%dma_start3A_100, %dma_start3A_110, %dma_start3A_111] : memref<8x32x128xf32, #tpu.memory_space<vmem>> -> memref<1x32x128xf32, #tpu.memory_space<vmem>>
    %dma_start3A_113 = tpu.memref_squeeze %dma_start3A_112 : memref<1x32x128xf32, #tpu.memory_space<vmem>> -> memref<32x128xf32, #tpu.memory_space<vmem>>
    %dma_start3A_114 = arith.constant 0 : i32
    %dma_start3A_115 = tpu.memref_slice %arg2[%dma_start3A_114, %multiple_of3A_99] : memref<32x1000000xf32, #tpu.memory_space<hbm>> -> memref<32x128xf32, #tpu.memory_space<hbm>>
    tpu.enqueue_dma source(%dma_start3A_115 : memref<32x128xf32, #tpu.memory_space<hbm>>) target(%dma_start3A_113 : memref<32x128xf32, #tpu.memory_space<vmem>>) target_semaphore(%dma_start3A_109 : memref<!tpu.dma_semaphore, #tpu.memory_space<semaphore_mem>>)
    %slice3A_116 = vector.extract_strided_slice %get3A_6 {offsets = [5], sizes = [1], strides = [1]} : vector<16xi32> to vector<1xi32>
    %squeeze3A_117 = vector.extract %slice3A_116[0] : i32 from vector<1xi32>
    %shift_right_arithmetic3A_118 = arith.constant 7 : i32
    %shift_right_arithmetic3A_119 = arith.shrsi %squeeze3A_117, %shift_right_arithmetic3A_118 : i32
    %shift_left3A_120 = arith.constant 7 : i32
    %shift_left3A_121 = arith.shli %shift_right_arithmetic3A_119, %shift_left3A_120 : i32
    %multiple_of3A_122 = tpu.assume_multiple %shift_left3A_121, 128 : i32
    %dma_start3A_123 = arith.constant 5 : i32
    %dma_start3A_124 = arith.constant 5 : i32
    %dma_start3A_125 = arith.constant 0 : i32
    %dma_start3A_126 = arith.constant 0 : i32
    %dma_start3A_127 = tpu.memref_slice %arg6[%dma_start3A_123, %dma_start3A_125, %dma_start3A_126] : memref<8x32x128xf32, #tpu.memory_space<vmem>> -> memref<1x32x128xf32, #tpu.memory_space<vmem>>
    %dma_start3A_128 = tpu.memref_squeeze %dma_start3A_127 : memref<1x32x128xf32, #tpu.memory_space<vmem>> -> memref<32x128xf32, #tpu.memory_space<vmem>>
    %dma_start3A_129 = arith.constant 0 : i32
    %dma_start3A_130 = tpu.memref_slice %arg2[%dma_start3A_129, %multiple_of3A_122] : memref<32x1000000xf32, #tpu.memory_space<hbm>> -> memref<32x128xf32, #tpu.memory_space<hbm>>
    %dma_start3A_131 = tpu.memref_slice %arg8[%dma_start3A_124] : memref<8x!tpu.dma_semaphore, #tpu.memory_space<semaphore_mem>> -> memref<1x!tpu.dma_semaphore, #tpu.memory_space<semaphore_mem>>
    %dma_start3A_132 = tpu.memref_squeeze %dma_start3A_131 : memref<1x!tpu.dma_semaphore, #tpu.memory_space<semaphore_mem>> -> memref<!tpu.dma_semaphore, #tpu.memory_space<semaphore_mem>>
    %dma_start3A_133 = arith.constant 0 : i32
    %dma_start3A_134 = arith.constant 0 : i32
    %dma_start3A_135 = tpu.memref_slice %arg6[%dma_start3A_123, %dma_start3A_133, %dma_start3A_134] : memref<8x32x128xf32, #tpu.memory_space<vmem>> -> memref<1x32x128xf32, #tpu.memory_space<vmem>>
    %dma_start3A_136 = tpu.memref_squeeze %dma_start3A_135 : memref<1x32x128xf32, #tpu.memory_space<vmem>> -> memref<32x128xf32, #tpu.memory_space<vmem>>
    %dma_start3A_137 = arith.constant 0 : i32
    %dma_start3A_138 = tpu.memref_slice %arg2[%dma_start3A_137, %multiple_of3A_122] : memref<32x1000000xf32, #tpu.memory_space<hbm>> -> memref<32x128xf32, #tpu.memory_space<hbm>>
    tpu.enqueue_dma source(%dma_start3A_138 : memref<32x128xf32, #tpu.memory_space<hbm>>) target(%dma_start3A_136 : memref<32x128xf32, #tpu.memory_space<vmem>>) target_semaphore(%dma_start3A_132 : memref<!tpu.dma_semaphore, #tpu.memory_space<semaphore_mem>>)
    %slice3A_139 = vector.extract_strided_slice %get3A_6 {offsets = [6], sizes = [1], strides = [1]} : vector<16xi32> to vector<1xi32>
    %squeeze3A_140 = vector.extract %slice3A_139[0] : i32 from vector<1xi32>
    %shift_right_arithmetic3A_141 = arith.constant 7 : i32
    %shift_right_arithmetic3A_142 = arith.shrsi %squeeze3A_140, %shift_right_arithmetic3A_141 : i32
    %shift_left3A_143 = arith.constant 7 : i32
    %shift_left3A_144 = arith.shli %shift_right_arithmetic3A_142, %shift_left3A_143 : i32
    %multiple_of3A_145 = tpu.assume_multiple %shift_left3A_144, 128 : i32
    %dma_start3A_146 = arith.constant 6 : i32
    %dma_start3A_147 = arith.constant 6 : i32
    %dma_start3A_148 = arith.constant 0 : i32
    %dma_start3A_149 = arith.constant 0 : i32
    %dma_start3A_150 = tpu.memref_slice %arg6[%dma_start3A_146, %dma_start3A_148, %dma_start3A_149] : memref<8x32x128xf32, #tpu.memory_space<vmem>> -> memref<1x32x128xf32, #tpu.memory_space<vmem>>
    %dma_start3A_151 = tpu.memref_squeeze %dma_start3A_150 : memref<1x32x128xf32, #tpu.memory_space<vmem>> -> memref<32x128xf32, #tpu.memory_space<vmem>>
    %dma_start3A_152 = arith.constant 0 : i32
    %dma_start3A_153 = tpu.memref_slice %arg2[%dma_start3A_152, %multiple_of3A_145] : memref<32x1000000xf32, #tpu.memory_space<hbm>> -> memref<32x128xf32, #tpu.memory_space<hbm>>
    %dma_start3A_154 = tpu.memref_slice %arg8[%dma_start3A_147] : memref<8x!tpu.dma_semaphore, #tpu.memory_space<semaphore_mem>> -> memref<1x!tpu.dma_semaphore, #tpu.memory_space<semaphore_mem>>
    %dma_start3A_155 = tpu.memref_squeeze %dma_start3A_154 : memref<1x!tpu.dma_semaphore, #tpu.memory_space<semaphore_mem>> -> memref<!tpu.dma_semaphore, #tpu.memory_space<semaphore_mem>>
    %dma_start3A_156 = arith.constant 0 : i32
    %dma_start3A_157 = arith.constant 0 : i32
    %dma_start3A_158 = tpu.memref_slice %arg6[%dma_start3A_146, %dma_start3A_156, %dma_start3A_157] : memref<8x32x128xf32, #tpu.memory_space<vmem>> -> memref<1x32x128xf32, #tpu.memory_space<vmem>>
    %dma_start3A_159 = tpu.memref_squeeze %dma_start3A_158 : memref<1x32x128xf32, #tpu.memory_space<vmem>> -> memref<32x128xf32, #tpu.memory_space<vmem>>
    %dma_start3A_160 = arith.constant 0 : i32
    %dma_start3A_161 = tpu.memref_slice %arg2[%dma_start3A_160, %multiple_of3A_145] : memref<32x1000000xf32, #tpu.memory_space<hbm>> -> memref<32x128xf32, #tpu.memory_space<hbm>>
    tpu.enqueue_dma source(%dma_start3A_161 : memref<32x128xf32, #tpu.memory_space<hbm>>) target(%dma_start3A_159 : memref<32x128xf32, #tpu.memory_space<vmem>>) target_semaphore(%dma_start3A_155 : memref<!tpu.dma_semaphore, #tpu.memory_space<semaphore_mem>>)
    %slice3A_162 = vector.extract_strided_slice %get3A_6 {offsets = [7], sizes = [1], strides = [1]} : vector<16xi32> to vector<1xi32>
    %squeeze3A_163 = vector.extract %slice3A_162[0] : i32 from vector<1xi32>
    %shift_right_arithmetic3A_164 = arith.constant 7 : i32
    %shift_right_arithmetic3A_165 = arith.shrsi %squeeze3A_163, %shift_right_arithmetic3A_164 : i32
    %shift_left3A_166 = arith.constant 7 : i32
    %shift_left3A_167 = arith.shli %shift_right_arithmetic3A_165, %shift_left3A_166 : i32
    %multiple_of3A_168 = tpu.assume_multiple %shift_left3A_167, 128 : i32
    %dma_start3A_169 = arith.constant 7 : i32
    %dma_start3A_170 = arith.constant 7 : i32
    %dma_start3A_171 = arith.constant 0 : i32
    %dma_start3A_172 = arith.constant 0 : i32
    %dma_start3A_173 = tpu.memref_slice %arg6[%dma_start3A_169, %dma_start3A_171, %dma_start3A_172] : memref<8x32x128xf32, #tpu.memory_space<vmem>> -> memref<1x32x128xf32, #tpu.memory_space<vmem>>
    %dma_start3A_174 = tpu.memref_squeeze %dma_start3A_173 : memref<1x32x128xf32, #tpu.memory_space<vmem>> -> memref<32x128xf32, #tpu.memory_space<vmem>>
    %dma_start3A_175 = arith.constant 0 : i32
    %dma_start3A_176 = tpu.memref_slice %arg2[%dma_start3A_175, %multiple_of3A_168] : memref<32x1000000xf32, #tpu.memory_space<hbm>> -> memref<32x128xf32, #tpu.memory_space<hbm>>
    %dma_start3A_177 = tpu.memref_slice %arg8[%dma_start3A_170] : memref<8x!tpu.dma_semaphore, #tpu.memory_space<semaphore_mem>> -> memref<1x!tpu.dma_semaphore, #tpu.memory_space<semaphore_mem>>
    %dma_start3A_178 = tpu.memref_squeeze %dma_start3A_177 : memref<1x!tpu.dma_semaphore, #tpu.memory_space<semaphore_mem>> -> memref<!tpu.dma_semaphore, #tpu.memory_space<semaphore_mem>>
    %dma_start3A_179 = arith.constant 0 : i32
    %dma_start3A_180 = arith.constant 0 : i32
    %dma_start3A_181 = tpu.memref_slice %arg6[%dma_start3A_169, %dma_start3A_179, %dma_start3A_180] : memref<8x32x128xf32, #tpu.memory_space<vmem>> -> memref<1x32x128xf32, #tpu.memory_space<vmem>>
    %dma_start3A_182 = tpu.memref_squeeze %dma_start3A_181 : memref<1x32x128xf32, #tpu.memory_space<vmem>> -> memref<32x128xf32, #tpu.memory_space<vmem>>
    %dma_start3A_183 = arith.constant 0 : i32
    %dma_start3A_184 = tpu.memref_slice %arg2[%dma_start3A_183, %multiple_of3A_168] : memref<32x1000000xf32, #tpu.memory_space<hbm>> -> memref<32x128xf32, #tpu.memory_space<hbm>>
    tpu.enqueue_dma source(%dma_start3A_184 : memref<32x128xf32, #tpu.memory_space<hbm>>) target(%dma_start3A_182 : memref<32x128xf32, #tpu.memory_space<vmem>>) target_semaphore(%dma_start3A_178 : memref<!tpu.dma_semaphore, #tpu.memory_space<semaphore_mem>>)
    %scan3A = arith.constant 0 : i32
    %scan3A_185 = arith.constant 32 : i32
    %scan3A_186 = arith.addi %scan3A, %scan3A_185 : i32
    %scan3A_187 = arith.constant 1 : i32
    %scan3A_188 = scf.for %scan3A_190 = %scan3A to %scan3A_186 step %scan3A_187 iter_args(%scan3A_191 = %get3A_6) -> (vector<16xi32>)  : i32 {
      %add3A_192 = arith.constant 1 : i32
      %add3A_193 = arith.addi %scan3A_190, %add3A_192 : i32
      %mul3A_194 = arith.constant 16 : i32
      %mul3A_195 = arith.muli %add3A_193, %mul3A_194 : i32
      %get3A_196 = arith.index_cast %mul3A_195 : i32 to index
      %get3A_197 = tpu.vector_load %arg5[%get3A_196] {strides = array<i32>} : memref<528xi32, #tpu.memory_space<vmem>>, vector<16xi32>,
      %dma_wait3A = arith.constant 0 : i32
      %dma_wait3A_198 = arith.constant 0 : i32
      %dma_wait3A_199 = arith.constant 0 : i32
      %dma_wait3A_200 = arith.constant 0 : i32
      %dma_wait3A_201 = tpu.memref_slice %arg6[%dma_wait3A, %dma_wait3A_199, %dma_wait3A_200] : memref<8x32x128xf32, #tpu.memory_space<vmem>> -> memref<1x32x128xf32, #tpu.memory_space<vmem>>
      %dma_wait3A_202 = tpu.memref_squeeze %dma_wait3A_201 : memref<1x32x128xf32, #tpu.memory_space<vmem>> -> memref<32x128xf32, #tpu.memory_space<vmem>>
      %dma_wait3A_203 = arith.constant 0 : i32
      %dma_wait3A_204 = arith.constant 0 : i32
      %dma_wait3A_205 = tpu.memref_slice %arg2[%dma_wait3A_203, %dma_wait3A_204] : memref<32x1000000xf32, #tpu.memory_space<hbm>> -> memref<32x128xf32, #tpu.memory_space<hbm>>
      %dma_wait3A_206 = tpu.memref_slice %arg8[%dma_wait3A_198] : memref<8x!tpu.dma_semaphore, #tpu.memory_space<semaphore_mem>> -> memref<1x!tpu.dma_semaphore, #tpu.memory_space<semaphore_mem>>
      %dma_wait3A_207 = tpu.memref_squeeze %dma_wait3A_206 : memref<1x!tpu.dma_semaphore, #tpu.memory_space<semaphore_mem>> -> memref<!tpu.dma_semaphore, #tpu.memory_space<semaphore_mem>>
      %dma_wait3A_208 = arith.constant 0 : i32
      %dma_wait3A_209 = arith.constant 0 : i32
      %dma_wait3A_210 = tpu.memref_slice %arg6[%dma_wait3A, %dma_wait3A_208, %dma_wait3A_209] : memref<8x32x128xf32, #tpu.memory_space<vmem>> -> memref<1x32x128xf32, #tpu.memory_space<vmem>>
      %dma_wait3A_211 = tpu.memref_squeeze %dma_wait3A_210 : memref<1x32x128xf32, #tpu.memory_space<vmem>> -> memref<32x128xf32, #tpu.memory_space<vmem>>
      %dma_wait3A_212 = arith.constant 0 : i32
      %dma_wait3A_213 = arith.constant 0 : i32
      %dma_wait3A_214 = tpu.memref_slice %arg2[%dma_wait3A_212, %dma_wait3A_213] : memref<32x1000000xf32, #tpu.memory_space<hbm>> -> memref<32x128xf32, #tpu.memory_space<hbm>>
      tpu.wait_dma2 semaphore(%dma_wait3A_207 : memref<!tpu.dma_semaphore, #tpu.memory_space<semaphore_mem>>) src(%dma_wait3A_214 : memref<32x128xf32, #tpu.memory_space<hbm>>) dst(%dma_wait3A_211 : memref<32x128xf32, #tpu.memory_space<vmem>>)
      %slice3A_215 = vector.extract_strided_slice %scan3A_191 {offsets = [0], sizes = [1], strides = [1]} : vector<16xi32> to vector<1xi32>
      %squeeze3A_216 = vector.extract %slice3A_215[0] : i32 from vector<1xi32>
      %mul3A_217 = arith.constant 16 : i32
      %mul3A_218 = arith.muli %scan3A_190, %mul3A_217 : i32
      %add3A_219 = arith.constant 0 : i32
      %add3A_220 = arith.addi %mul3A_218, %add3A_219 : i32
      %and3A = arith.constant 127 : i32
      %and3A_221 = arith.andi %squeeze3A_216, %and3A : i32
      %broadcast_in_dim3A = vector.broadcast %and3A_221 : i32 to vector<16xi32>
      %broadcast_in_dim3A_222 = arith.constant 0 : i32
      %broadcast_in_dim3A_223 = vector.broadcast %broadcast_in_dim3A_222 : i32 to vector<16xi32>
      %broadcast_in_dim3A_224 = vector.broadcast %add3A_220 : i32 to vector<16xi32>
      %gather3A = tpu.vector_load_idx %arg6[%broadcast_in_dim3A_223, %iota3A, %broadcast_in_dim3A] : memref<8x32x128xf32, #tpu.memory_space<vmem>>[vector<16xi32>, vector<16xi32>, vector<16xi32>], vector<16xf32>,
      %gather3A_225 = tpu.vector_load_idx %arg6[%broadcast_in_dim3A_223, %add3A_5, %broadcast_in_dim3A] : memref<8x32x128xf32, #tpu.memory_space<vmem>>[vector<16xi32>, vector<16xi32>, vector<16xi32>], vector<16xf32>,
      tpu.vector_store_idx %arg7[%iota3A, %broadcast_in_dim3A_224], %gather3A : memref<32x512xf32, #tpu.memory_space<vmem>>[vector<16xi32>, vector<16xi32>], vector<16xf32>,
      tpu.vector_store_idx %arg7[%add3A_5, %broadcast_in_dim3A_224], %gather3A_225 : memref<32x512xf32, #tpu.memory_space<vmem>>[vector<16xi32>, vector<16xi32>], vector<16xf32>,
      %slice3A_226 = vector.extract_strided_slice %scan3A_191 {offsets = [8], sizes = [1], strides = [1]} : vector<16xi32> to vector<1xi32>
      %squeeze3A_227 = vector.extract %slice3A_226[0] : i32 from vector<1xi32>
      %add3A_228 = arith.constant 8 : i32
      %add3A_229 = arith.addi %add3A_220, %add3A_228 : i32
      %lt3A = arith.constant 512 : i32
      %lt3A_230 = arith.cmpi slt, %add3A_229, %lt3A : i32
      %convert_element_type3A = arith.extui %lt3A_230 : i1 to i32
      %cond3A = arith.constant 0 : i32
      %cond3A_231 = arith.cmpi ne, %convert_element_type3A, %cond3A : i32
      scf.if %cond3A_231 {
        %shift_right_arithmetic3A_847 = arith.constant 7 : i32
        %shift_right_arithmetic3A_848 = arith.shrsi %squeeze3A_227, %shift_right_arithmetic3A_847 : i32
        %shift_left3A_849 = arith.constant 7 : i32
        %shift_left3A_850 = arith.shli %shift_right_arithmetic3A_848, %shift_left3A_849 : i32
        %multiple_of3A_851 = tpu.assume_multiple %shift_left3A_850, 128 : i32
        %dma_start3A_852 = arith.constant 0 : i32
        %dma_start3A_853 = arith.constant 0 : i32
        %dma_start3A_854 = arith.constant 0 : i32
        %dma_start3A_855 = arith.constant 0 : i32
        %dma_start3A_856 = tpu.memref_slice %arg6[%dma_start3A_852, %dma_start3A_854, %dma_start3A_855] : memref<8x32x128xf32, #tpu.memory_space<vmem>> -> memref<1x32x128xf32, #tpu.memory_space<vmem>>
        %dma_start3A_857 = tpu.memref_squeeze %dma_start3A_856 : memref<1x32x128xf32, #tpu.memory_space<vmem>> -> memref<32x128xf32, #tpu.memory_space<vmem>>
        %dma_start3A_858 = arith.constant 0 : i32
        %dma_start3A_859 = tpu.memref_slice %arg2[%dma_start3A_858, %multiple_of3A_851] : memref<32x1000000xf32, #tpu.memory_space<hbm>> -> memref<32x128xf32, #tpu.memory_space<hbm>>
        %dma_start3A_860 = tpu.memref_slice %arg8[%dma_start3A_853] : memref<8x!tpu.dma_semaphore, #tpu.memory_space<semaphore_mem>> -> memref<1x!tpu.dma_semaphore, #tpu.memory_space<semaphore_mem>>
        %dma_start3A_861 = tpu.memref_squeeze %dma_start3A_860 : memref<1x!tpu.dma_semaphore, #tpu.memory_space<semaphore_mem>> -> memref<!tpu.dma_semaphore, #tpu.memory_space<semaphore_mem>>
        %dma_start3A_862 = arith.constant 0 : i32
        %dma_start3A_863 = arith.constant 0 : i32
        %dma_start3A_864 = tpu.memref_slice %arg6[%dma_start3A_852, %dma_start3A_862, %dma_start3A_863] : memref<8x32x128xf32, #tpu.memory_space<vmem>> -> memref<1x32x128xf32, #tpu.memory_space<vmem>>
        %dma_start3A_865 = tpu.memref_squeeze %dma_start3A_864 : memref<1x32x128xf32, #tpu.memory_space<vmem>> -> memref<32x128xf32, #tpu.memory_space<vmem>>
        %dma_start3A_866 = arith.constant 0 : i32
        %dma_start3A_867 = tpu.memref_slice %arg2[%dma_start3A_866, %multiple_of3A_851] : memref<32x1000000xf32, #tpu.memory_space<hbm>> -> memref<32x128xf32, #tpu.memory_space<hbm>>
        tpu.enqueue_dma source(%dma_start3A_867 : memref<32x128xf32, #tpu.memory_space<hbm>>) target(%dma_start3A_865 : memref<32x128xf32, #tpu.memory_space<vmem>>) target_semaphore(%dma_start3A_861 : memref<!tpu.dma_semaphore, #tpu.memory_space<semaphore_mem>>)
      } else {
      }
      %dma_wait3A_232 = arith.constant 1 : i32
      %dma_wait3A_233 = arith.constant 1 : i32
      %dma_wait3A_234 = arith.constant 0 : i32
      %dma_wait3A_235 = arith.constant 0 : i32
      %dma_wait3A_236 = tpu.memref_slice %arg6[%dma_wait3A_232, %dma_wait3A_234, %dma_wait3A_235] : memref<8x32x128xf32, #tpu.memory_space<vmem>> -> memref<1x32x128xf32, #tpu.memory_space<vmem>>
      %dma_wait3A_237 = tpu.memref_squeeze %dma_wait3A_236 : memref<1x32x128xf32, #tpu.memory_space<vmem>> -> memref<32x128xf32, #tpu.memory_space<vmem>>
      %dma_wait3A_238 = arith.constant 0 : i32
      %dma_wait3A_239 = arith.constant 0 : i32
      %dma_wait3A_240 = tpu.memref_slice %arg2[%dma_wait3A_238, %dma_wait3A_239] : memref<32x1000000xf32, #tpu.memory_space<hbm>> -> memref<32x128xf32, #tpu.memory_space<hbm>>
      %dma_wait3A_241 = tpu.memref_slice %arg8[%dma_wait3A_233] : memref<8x!tpu.dma_semaphore, #tpu.memory_space<semaphore_mem>> -> memref<1x!tpu.dma_semaphore, #tpu.memory_space<semaphore_mem>>
      %dma_wait3A_242 = tpu.memref_squeeze %dma_wait3A_241 : memref<1x!tpu.dma_semaphore, #tpu.memory_space<semaphore_mem>> -> memref<!tpu.dma_semaphore, #tpu.memory_space<semaphore_mem>>
      %dma_wait3A_243 = arith.constant 0 : i32
      %dma_wait3A_244 = arith.constant 0 : i32
      %dma_wait3A_245 = tpu.memref_slice %arg6[%dma_wait3A_232, %dma_wait3A_243, %dma_wait3A_244] : memref<8x32x128xf32, #tpu.memory_space<vmem>> -> memref<1x32x128xf32, #tpu.memory_space<vmem>>
      %dma_wait3A_246 = tpu.memref_squeeze %dma_wait3A_245 : memref<1x32x128xf32, #tpu.memory_space<vmem>> -> memref<32x128xf32, #tpu.memory_space<vmem>>
      %dma_wait3A_247 = arith.constant 0 : i32
      %dma_wait3A_248 = arith.constant 0 : i32
      %dma_wait3A_249 = tpu.memref_slice %arg2[%dma_wait3A_247, %dma_wait3A_248] : memref<32x1000000xf32, #tpu.memory_space<hbm>> -> memref<32x128xf32, #tpu.memory_space<hbm>>
      tpu.wait_dma2 semaphore(%dma_wait3A_242 : memref<!tpu.dma_semaphore, #tpu.memory_space<semaphore_mem>>) src(%dma_wait3A_249 : memref<32x128xf32, #tpu.memory_space<hbm>>) dst(%dma_wait3A_246 : memref<32x128xf32, #tpu.memory_space<vmem>>)
      %slice3A_250 = vector.extract_strided_slice %scan3A_191 {offsets = [1], sizes = [1], strides = [1]} : vector<16xi32> to vector<1xi32>
      %squeeze3A_251 = vector.extract %slice3A_250[0] : i32 from vector<1xi32>
      %mul3A_252 = arith.constant 16 : i32
      %mul3A_253 = arith.muli %scan3A_190, %mul3A_252 : i32
      %add3A_254 = arith.constant 1 : i32
      %add3A_255 = arith.addi %mul3A_253, %add3A_254 : i32
      %and3A_256 = arith.constant 127 : i32
      %and3A_257 = arith.andi %squeeze3A_251, %and3A_256 : i32
      %broadcast_in_dim3A_258 = vector.broadcast %and3A_257 : i32 to vector<16xi32>
      %broadcast_in_dim3A_259 = arith.constant 1 : i32
      %broadcast_in_dim3A_260 = vector.broadcast %broadcast_in_dim3A_259 : i32 to vector<16xi32>
      %broadcast_in_dim3A_261 = vector.broadcast %add3A_255 : i32 to vector<16xi32>
      %gather3A_262 = tpu.vector_load_idx %arg6[%broadcast_in_dim3A_260, %iota3A, %broadcast_in_dim3A_258] : memref<8x32x128xf32, #tpu.memory_space<vmem>>[vector<16xi32>, vector<16xi32>, vector<16xi32>], vector<16xf32>,
      %gather3A_263 = tpu.vector_load_idx %arg6[%broadcast_in_dim3A_260, %add3A_5, %broadcast_in_dim3A_258] : memref<8x32x128xf32, #tpu.memory_space<vmem>>[vector<16xi32>, vector<16xi32>, vector<16xi32>], vector<16xf32>,
      tpu.vector_store_idx %arg7[%iota3A, %broadcast_in_dim3A_261], %gather3A_262 : memref<32x512xf32, #tpu.memory_space<vmem>>[vector<16xi32>, vector<16xi32>], vector<16xf32>,
      tpu.vector_store_idx %arg7[%add3A_5, %broadcast_in_dim3A_261], %gather3A_263 : memref<32x512xf32, #tpu.memory_space<vmem>>[vector<16xi32>, vector<16xi32>], vector<16xf32>,
      %slice3A_264 = vector.extract_strided_slice %scan3A_191 {offsets = [9], sizes = [1], strides = [1]} : vector<16xi32> to vector<1xi32>
      %squeeze3A_265 = vector.extract %slice3A_264[0] : i32 from vector<1xi32>
      %add3A_266 = arith.constant 8 : i32
      %add3A_267 = arith.addi %add3A_255, %add3A_266 : i32
      %lt3A_268 = arith.constant 512 : i32
      %lt3A_269 = arith.cmpi slt, %add3A_267, %lt3A_268 : i32
      %convert_element_type3A_270 = arith.extui %lt3A_269 : i1 to i32
      %cond3A_271 = arith.constant 0 : i32
      %cond3A_272 = arith.cmpi ne, %convert_element_type3A_270, %cond3A_271 : i32
      scf.if %cond3A_272 {
        %shift_right_arithmetic3A_847 = arith.constant 7 : i32
        %shift_right_arithmetic3A_848 = arith.shrsi %squeeze3A_265, %shift_right_arithmetic3A_847 : i32
        %shift_left3A_849 = arith.constant 7 : i32
        %shift_left3A_850 = arith.shli %shift_right_arithmetic3A_848, %shift_left3A_849 : i32
        %multiple_of3A_851 = tpu.assume_multiple %shift_left3A_850, 128 : i32
        %dma_start3A_852 = arith.constant 1 : i32
        %dma_start3A_853 = arith.constant 1 : i32
        %dma_start3A_854 = arith.constant 0 : i32
        %dma_start3A_855 = arith.constant 0 : i32
        %dma_start3A_856 = tpu.memref_slice %arg6[%dma_start3A_852, %dma_start3A_854, %dma_start3A_855] : memref<8x32x128xf32, #tpu.memory_space<vmem>> -> memref<1x32x128xf32, #tpu.memory_space<vmem>>
        %dma_start3A_857 = tpu.memref_squeeze %dma_start3A_856 : memref<1x32x128xf32, #tpu.memory_space<vmem>> -> memref<32x128xf32, #tpu.memory_space<vmem>>
        %dma_start3A_858 = arith.constant 0 : i32
        %dma_start3A_859 = tpu.memref_slice %arg2[%dma_start3A_858, %multiple_of3A_851] : memref<32x1000000xf32, #tpu.memory_space<hbm>> -> memref<32x128xf32, #tpu.memory_space<hbm>>
        %dma_start3A_860 = tpu.memref_slice %arg8[%dma_start3A_853] : memref<8x!tpu.dma_semaphore, #tpu.memory_space<semaphore_mem>> -> memref<1x!tpu.dma_semaphore, #tpu.memory_space<semaphore_mem>>
        %dma_start3A_861 = tpu.memref_squeeze %dma_start3A_860 : memref<1x!tpu.dma_semaphore, #tpu.memory_space<semaphore_mem>> -> memref<!tpu.dma_semaphore, #tpu.memory_space<semaphore_mem>>
        %dma_start3A_862 = arith.constant 0 : i32
        %dma_start3A_863 = arith.constant 0 : i32
        %dma_start3A_864 = tpu.memref_slice %arg6[%dma_start3A_852, %dma_start3A_862, %dma_start3A_863] : memref<8x32x128xf32, #tpu.memory_space<vmem>> -> memref<1x32x128xf32, #tpu.memory_space<vmem>>
        %dma_start3A_865 = tpu.memref_squeeze %dma_start3A_864 : memref<1x32x128xf32, #tpu.memory_space<vmem>> -> memref<32x128xf32, #tpu.memory_space<vmem>>
        %dma_start3A_866 = arith.constant 0 : i32
        %dma_start3A_867 = tpu.memref_slice %arg2[%dma_start3A_866, %multiple_of3A_851] : memref<32x1000000xf32, #tpu.memory_space<hbm>> -> memref<32x128xf32, #tpu.memory_space<hbm>>
        tpu.enqueue_dma source(%dma_start3A_867 : memref<32x128xf32, #tpu.memory_space<hbm>>) target(%dma_start3A_865 : memref<32x128xf32, #tpu.memory_space<vmem>>) target_semaphore(%dma_start3A_861 : memref<!tpu.dma_semaphore, #tpu.memory_space<semaphore_mem>>)
      } else {
      }
      %dma_wait3A_273 = arith.constant 2 : i32
      %dma_wait3A_274 = arith.constant 2 : i32
      %dma_wait3A_275 = arith.constant 0 : i32
      %dma_wait3A_276 = arith.constant 0 : i32
      %dma_wait3A_277 = tpu.memref_slice %arg6[%dma_wait3A_273, %dma_wait3A_275, %dma_wait3A_276] : memref<8x32x128xf32, #tpu.memory_space<vmem>> -> memref<1x32x128xf32, #tpu.memory_space<vmem>>
      %dma_wait3A_278 = tpu.memref_squeeze %dma_wait3A_277 : memref<1x32x128xf32, #tpu.memory_space<vmem>> -> memref<32x128xf32, #tpu.memory_space<vmem>>
      %dma_wait3A_279 = arith.constant 0 : i32
      %dma_wait3A_280 = arith.constant 0 : i32
      %dma_wait3A_281 = tpu.memref_slice %arg2[%dma_wait3A_279, %dma_wait3A_280] : memref<32x1000000xf32, #tpu.memory_space<hbm>> -> memref<32x128xf32, #tpu.memory_space<hbm>>
      %dma_wait3A_282 = tpu.memref_slice %arg8[%dma_wait3A_274] : memref<8x!tpu.dma_semaphore, #tpu.memory_space<semaphore_mem>> -> memref<1x!tpu.dma_semaphore, #tpu.memory_space<semaphore_mem>>
      %dma_wait3A_283 = tpu.memref_squeeze %dma_wait3A_282 : memref<1x!tpu.dma_semaphore, #tpu.memory_space<semaphore_mem>> -> memref<!tpu.dma_semaphore, #tpu.memory_space<semaphore_mem>>
      %dma_wait3A_284 = arith.constant 0 : i32
      %dma_wait3A_285 = arith.constant 0 : i32
      %dma_wait3A_286 = tpu.memref_slice %arg6[%dma_wait3A_273, %dma_wait3A_284, %dma_wait3A_285] : memref<8x32x128xf32, #tpu.memory_space<vmem>> -> memref<1x32x128xf32, #tpu.memory_space<vmem>>
      %dma_wait3A_287 = tpu.memref_squeeze %dma_wait3A_286 : memref<1x32x128xf32, #tpu.memory_space<vmem>> -> memref<32x128xf32, #tpu.memory_space<vmem>>
      %dma_wait3A_288 = arith.constant 0 : i32
      %dma_wait3A_289 = arith.constant 0 : i32
      %dma_wait3A_290 = tpu.memref_slice %arg2[%dma_wait3A_288, %dma_wait3A_289] : memref<32x1000000xf32, #tpu.memory_space<hbm>> -> memref<32x128xf32, #tpu.memory_space<hbm>>
      tpu.wait_dma2 semaphore(%dma_wait3A_283 : memref<!tpu.dma_semaphore, #tpu.memory_space<semaphore_mem>>) src(%dma_wait3A_290 : memref<32x128xf32, #tpu.memory_space<hbm>>) dst(%dma_wait3A_287 : memref<32x128xf32, #tpu.memory_space<vmem>>)
      %slice3A_291 = vector.extract_strided_slice %scan3A_191 {offsets = [2], sizes = [1], strides = [1]} : vector<16xi32> to vector<1xi32>
      %squeeze3A_292 = vector.extract %slice3A_291[0] : i32 from vector<1xi32>
      %mul3A_293 = arith.constant 16 : i32
      %mul3A_294 = arith.muli %scan3A_190, %mul3A_293 : i32
      %add3A_295 = arith.constant 2 : i32
      %add3A_296 = arith.addi %mul3A_294, %add3A_295 : i32
      %and3A_297 = arith.constant 127 : i32
      %and3A_298 = arith.andi %squeeze3A_292, %and3A_297 : i32
      %broadcast_in_dim3A_299 = vector.broadcast %and3A_298 : i32 to vector<16xi32>
      %broadcast_in_dim3A_300 = arith.constant 2 : i32
      %broadcast_in_dim3A_301 = vector.broadcast %broadcast_in_dim3A_300 : i32 to vector<16xi32>
      %broadcast_in_dim3A_302 = vector.broadcast %add3A_296 : i32 to vector<16xi32>
      %gather3A_303 = tpu.vector_load_idx %arg6[%broadcast_in_dim3A_301, %iota3A, %broadcast_in_dim3A_299] : memref<8x32x128xf32, #tpu.memory_space<vmem>>[vector<16xi32>, vector<16xi32>, vector<16xi32>], vector<16xf32>,
      %gather3A_304 = tpu.vector_load_idx %arg6[%broadcast_in_dim3A_301, %add3A_5, %broadcast_in_dim3A_299] : memref<8x32x128xf32, #tpu.memory_space<vmem>>[vector<16xi32>, vector<16xi32>, vector<16xi32>], vector<16xf32>,
      tpu.vector_store_idx %arg7[%iota3A, %broadcast_in_dim3A_302], %gather3A_303 : memref<32x512xf32, #tpu.memory_space<vmem>>[vector<16xi32>, vector<16xi32>], vector<16xf32>,
      tpu.vector_store_idx %arg7[%add3A_5, %broadcast_in_dim3A_302], %gather3A_304 : memref<32x512xf32, #tpu.memory_space<vmem>>[vector<16xi32>, vector<16xi32>], vector<16xf32>,
      %slice3A_305 = vector.extract_strided_slice %scan3A_191 {offsets = [10], sizes = [1], strides = [1]} : vector<16xi32> to vector<1xi32>
      %squeeze3A_306 = vector.extract %slice3A_305[0] : i32 from vector<1xi32>
      %add3A_307 = arith.constant 8 : i32
      %add3A_308 = arith.addi %add3A_296, %add3A_307 : i32
      %lt3A_309 = arith.constant 512 : i32
      %lt3A_310 = arith.cmpi slt, %add3A_308, %lt3A_309 : i32
      %convert_element_type3A_311 = arith.extui %lt3A_310 : i1 to i32
      %cond3A_312 = arith.constant 0 : i32
      %cond3A_313 = arith.cmpi ne, %convert_element_type3A_311, %cond3A_312 : i32
      scf.if %cond3A_313 {
        %shift_right_arithmetic3A_847 = arith.constant 7 : i32
        %shift_right_arithmetic3A_848 = arith.shrsi %squeeze3A_306, %shift_right_arithmetic3A_847 : i32
        %shift_left3A_849 = arith.constant 7 : i32
        %shift_left3A_850 = arith.shli %shift_right_arithmetic3A_848, %shift_left3A_849 : i32
        %multiple_of3A_851 = tpu.assume_multiple %shift_left3A_850, 128 : i32
        %dma_start3A_852 = arith.constant 2 : i32
        %dma_start3A_853 = arith.constant 2 : i32
        %dma_start3A_854 = arith.constant 0 : i32
        %dma_start3A_855 = arith.constant 0 : i32
        %dma_start3A_856 = tpu.memref_slice %arg6[%dma_start3A_852, %dma_start3A_854, %dma_start3A_855] : memref<8x32x128xf32, #tpu.memory_space<vmem>> -> memref<1x32x128xf32, #tpu.memory_space<vmem>>
        %dma_start3A_857 = tpu.memref_squeeze %dma_start3A_856 : memref<1x32x128xf32, #tpu.memory_space<vmem>> -> memref<32x128xf32, #tpu.memory_space<vmem>>
        %dma_start3A_858 = arith.constant 0 : i32
        %dma_start3A_859 = tpu.memref_slice %arg2[%dma_start3A_858, %multiple_of3A_851] : memref<32x1000000xf32, #tpu.memory_space<hbm>> -> memref<32x128xf32, #tpu.memory_space<hbm>>
        %dma_start3A_860 = tpu.memref_slice %arg8[%dma_start3A_853] : memref<8x!tpu.dma_semaphore, #tpu.memory_space<semaphore_mem>> -> memref<1x!tpu.dma_semaphore, #tpu.memory_space<semaphore_mem>>
        %dma_start3A_861 = tpu.memref_squeeze %dma_start3A_860 : memref<1x!tpu.dma_semaphore, #tpu.memory_space<semaphore_mem>> -> memref<!tpu.dma_semaphore, #tpu.memory_space<semaphore_mem>>
        %dma_start3A_862 = arith.constant 0 : i32
        %dma_start3A_863 = arith.constant 0 : i32
        %dma_start3A_864 = tpu.memref_slice %arg6[%dma_start3A_852, %dma_start3A_862, %dma_start3A_863] : memref<8x32x128xf32, #tpu.memory_space<vmem>> -> memref<1x32x128xf32, #tpu.memory_space<vmem>>
        %dma_start3A_865 = tpu.memref_squeeze %dma_start3A_864 : memref<1x32x128xf32, #tpu.memory_space<vmem>> -> memref<32x128xf32, #tpu.memory_space<vmem>>
        %dma_start3A_866 = arith.constant 0 : i32
        %dma_start3A_867 = tpu.memref_slice %arg2[%dma_start3A_866, %multiple_of3A_851] : memref<32x1000000xf32, #tpu.memory_space<hbm>> -> memref<32x128xf32, #tpu.memory_space<hbm>>
        tpu.enqueue_dma source(%dma_start3A_867 : memref<32x128xf32, #tpu.memory_space<hbm>>) target(%dma_start3A_865 : memref<32x128xf32, #tpu.memory_space<vmem>>) target_semaphore(%dma_start3A_861 : memref<!tpu.dma_semaphore, #tpu.memory_space<semaphore_mem>>)
      } else {
      }
      %dma_wait3A_314 = arith.constant 3 : i32
      %dma_wait3A_315 = arith.constant 3 : i32
      %dma_wait3A_316 = arith.constant 0 : i32
      %dma_wait3A_317 = arith.constant 0 : i32
      %dma_wait3A_318 = tpu.memref_slice %arg6[%dma_wait3A_314, %dma_wait3A_316, %dma_wait3A_317] : memref<8x32x128xf32, #tpu.memory_space<vmem>> -> memref<1x32x128xf32, #tpu.memory_space<vmem>>
      %dma_wait3A_319 = tpu.memref_squeeze %dma_wait3A_318 : memref<1x32x128xf32, #tpu.memory_space<vmem>> -> memref<32x128xf32, #tpu.memory_space<vmem>>
      %dma_wait3A_320 = arith.constant 0 : i32
      %dma_wait3A_321 = arith.constant 0 : i32
      %dma_wait3A_322 = tpu.memref_slice %arg2[%dma_wait3A_320, %dma_wait3A_321] : memref<32x1000000xf32, #tpu.memory_space<hbm>> -> memref<32x128xf32, #tpu.memory_space<hbm>>
      %dma_wait3A_323 = tpu.memref_slice %arg8[%dma_wait3A_315] : memref<8x!tpu.dma_semaphore, #tpu.memory_space<semaphore_mem>> -> memref<1x!tpu.dma_semaphore, #tpu.memory_space<semaphore_mem>>
      %dma_wait3A_324 = tpu.memref_squeeze %dma_wait3A_323 : memref<1x!tpu.dma_semaphore, #tpu.memory_space<semaphore_mem>> -> memref<!tpu.dma_semaphore, #tpu.memory_space<semaphore_mem>>
      %dma_wait3A_325 = arith.constant 0 : i32
      %dma_wait3A_326 = arith.constant 0 : i32
      %dma_wait3A_327 = tpu.memref_slice %arg6[%dma_wait3A_314, %dma_wait3A_325, %dma_wait3A_326] : memref<8x32x128xf32, #tpu.memory_space<vmem>> -> memref<1x32x128xf32, #tpu.memory_space<vmem>>
      %dma_wait3A_328 = tpu.memref_squeeze %dma_wait3A_327 : memref<1x32x128xf32, #tpu.memory_space<vmem>> -> memref<32x128xf32, #tpu.memory_space<vmem>>
      %dma_wait3A_329 = arith.constant 0 : i32
      %dma_wait3A_330 = arith.constant 0 : i32
      %dma_wait3A_331 = tpu.memref_slice %arg2[%dma_wait3A_329, %dma_wait3A_330] : memref<32x1000000xf32, #tpu.memory_space<hbm>> -> memref<32x128xf32, #tpu.memory_space<hbm>>
      tpu.wait_dma2 semaphore(%dma_wait3A_324 : memref<!tpu.dma_semaphore, #tpu.memory_space<semaphore_mem>>) src(%dma_wait3A_331 : memref<32x128xf32, #tpu.memory_space<hbm>>) dst(%dma_wait3A_328 : memref<32x128xf32, #tpu.memory_space<vmem>>)
      %slice3A_332 = vector.extract_strided_slice %scan3A_191 {offsets = [3], sizes = [1], strides = [1]} : vector<16xi32> to vector<1xi32>
      %squeeze3A_333 = vector.extract %slice3A_332[0] : i32 from vector<1xi32>
      %mul3A_334 = arith.constant 16 : i32
      %mul3A_335 = arith.muli %scan3A_190, %mul3A_334 : i32
      %add3A_336 = arith.constant 3 : i32
      %add3A_337 = arith.addi %mul3A_335, %add3A_336 : i32
      %and3A_338 = arith.constant 127 : i32
      %and3A_339 = arith.andi %squeeze3A_333, %and3A_338 : i32
      %broadcast_in_dim3A_340 = vector.broadcast %and3A_339 : i32 to vector<16xi32>
      %broadcast_in_dim3A_341 = arith.constant 3 : i32
      %broadcast_in_dim3A_342 = vector.broadcast %broadcast_in_dim3A_341 : i32 to vector<16xi32>
      %broadcast_in_dim3A_343 = vector.broadcast %add3A_337 : i32 to vector<16xi32>
      %gather3A_344 = tpu.vector_load_idx %arg6[%broadcast_in_dim3A_342, %iota3A, %broadcast_in_dim3A_340] : memref<8x32x128xf32, #tpu.memory_space<vmem>>[vector<16xi32>, vector<16xi32>, vector<16xi32>], vector<16xf32>,
      %gather3A_345 = tpu.vector_load_idx %arg6[%broadcast_in_dim3A_342, %add3A_5, %broadcast_in_dim3A_340] : memref<8x32x128xf32, #tpu.memory_space<vmem>>[vector<16xi32>, vector<16xi32>, vector<16xi32>], vector<16xf32>,
      tpu.vector_store_idx %arg7[%iota3A, %broadcast_in_dim3A_343], %gather3A_344 : memref<32x512xf32, #tpu.memory_space<vmem>>[vector<16xi32>, vector<16xi32>], vector<16xf32>,
      tpu.vector_store_idx %arg7[%add3A_5, %broadcast_in_dim3A_343], %gather3A_345 : memref<32x512xf32, #tpu.memory_space<vmem>>[vector<16xi32>, vector<16xi32>], vector<16xf32>,
      %slice3A_346 = vector.extract_strided_slice %scan3A_191 {offsets = [11], sizes = [1], strides = [1]} : vector<16xi32> to vector<1xi32>
      %squeeze3A_347 = vector.extract %slice3A_346[0] : i32 from vector<1xi32>
      %add3A_348 = arith.constant 8 : i32
      %add3A_349 = arith.addi %add3A_337, %add3A_348 : i32
      %lt3A_350 = arith.constant 512 : i32
      %lt3A_351 = arith.cmpi slt, %add3A_349, %lt3A_350 : i32
      %convert_element_type3A_352 = arith.extui %lt3A_351 : i1 to i32
      %cond3A_353 = arith.constant 0 : i32
      %cond3A_354 = arith.cmpi ne, %convert_element_type3A_352, %cond3A_353 : i32
      scf.if %cond3A_354 {
        %shift_right_arithmetic3A_847 = arith.constant 7 : i32
        %shift_right_arithmetic3A_848 = arith.shrsi %squeeze3A_347, %shift_right_arithmetic3A_847 : i32
        %shift_left3A_849 = arith.constant 7 : i32
        %shift_left3A_850 = arith.shli %shift_right_arithmetic3A_848, %shift_left3A_849 : i32
        %multiple_of3A_851 = tpu.assume_multiple %shift_left3A_850, 128 : i32
        %dma_start3A_852 = arith.constant 3 : i32
        %dma_start3A_853 = arith.constant 3 : i32
        %dma_start3A_854 = arith.constant 0 : i32
        %dma_start3A_855 = arith.constant 0 : i32
        %dma_start3A_856 = tpu.memref_slice %arg6[%dma_start3A_852, %dma_start3A_854, %dma_start3A_855] : memref<8x32x128xf32, #tpu.memory_space<vmem>> -> memref<1x32x128xf32, #tpu.memory_space<vmem>>
        %dma_start3A_857 = tpu.memref_squeeze %dma_start3A_856 : memref<1x32x128xf32, #tpu.memory_space<vmem>> -> memref<32x128xf32, #tpu.memory_space<vmem>>
        %dma_start3A_858 = arith.constant 0 : i32
        %dma_start3A_859 = tpu.memref_slice %arg2[%dma_start3A_858, %multiple_of3A_851] : memref<32x1000000xf32, #tpu.memory_space<hbm>> -> memref<32x128xf32, #tpu.memory_space<hbm>>
        %dma_start3A_860 = tpu.memref_slice %arg8[%dma_start3A_853] : memref<8x!tpu.dma_semaphore, #tpu.memory_space<semaphore_mem>> -> memref<1x!tpu.dma_semaphore, #tpu.memory_space<semaphore_mem>>
        %dma_start3A_861 = tpu.memref_squeeze %dma_start3A_860 : memref<1x!tpu.dma_semaphore, #tpu.memory_space<semaphore_mem>> -> memref<!tpu.dma_semaphore, #tpu.memory_space<semaphore_mem>>
        %dma_start3A_862 = arith.constant 0 : i32
        %dma_start3A_863 = arith.constant 0 : i32
        %dma_start3A_864 = tpu.memref_slice %arg6[%dma_start3A_852, %dma_start3A_862, %dma_start3A_863] : memref<8x32x128xf32, #tpu.memory_space<vmem>> -> memref<1x32x128xf32, #tpu.memory_space<vmem>>
        %dma_start3A_865 = tpu.memref_squeeze %dma_start3A_864 : memref<1x32x128xf32, #tpu.memory_space<vmem>> -> memref<32x128xf32, #tpu.memory_space<vmem>>
        %dma_start3A_866 = arith.constant 0 : i32
        %dma_start3A_867 = tpu.memref_slice %arg2[%dma_start3A_866, %multiple_of3A_851] : memref<32x1000000xf32, #tpu.memory_space<hbm>> -> memref<32x128xf32, #tpu.memory_space<hbm>>
        tpu.enqueue_dma source(%dma_start3A_867 : memref<32x128xf32, #tpu.memory_space<hbm>>) target(%dma_start3A_865 : memref<32x128xf32, #tpu.memory_space<vmem>>) target_semaphore(%dma_start3A_861 : memref<!tpu.dma_semaphore, #tpu.memory_space<semaphore_mem>>)
      } else {
      }
      %dma_wait3A_355 = arith.constant 4 : i32
      %dma_wait3A_356 = arith.constant 4 : i32
      %dma_wait3A_357 = arith.constant 0 : i32
      %dma_wait3A_358 = arith.constant 0 : i32
      %dma_wait3A_359 = tpu.memref_slice %arg6[%dma_wait3A_355, %dma_wait3A_357, %dma_wait3A_358] : memref<8x32x128xf32, #tpu.memory_space<vmem>> -> memref<1x32x128xf32, #tpu.memory_space<vmem>>
      %dma_wait3A_360 = tpu.memref_squeeze %dma_wait3A_359 : memref<1x32x128xf32, #tpu.memory_space<vmem>> -> memref<32x128xf32, #tpu.memory_space<vmem>>
      %dma_wait3A_361 = arith.constant 0 : i32
      %dma_wait3A_362 = arith.constant 0 : i32
      %dma_wait3A_363 = tpu.memref_slice %arg2[%dma_wait3A_361, %dma_wait3A_362] : memref<32x1000000xf32, #tpu.memory_space<hbm>> -> memref<32x128xf32, #tpu.memory_space<hbm>>
      %dma_wait3A_364 = tpu.memref_slice %arg8[%dma_wait3A_356] : memref<8x!tpu.dma_semaphore, #tpu.memory_space<semaphore_mem>> -> memref<1x!tpu.dma_semaphore, #tpu.memory_space<semaphore_mem>>
      %dma_wait3A_365 = tpu.memref_squeeze %dma_wait3A_364 : memref<1x!tpu.dma_semaphore, #tpu.memory_space<semaphore_mem>> -> memref<!tpu.dma_semaphore, #tpu.memory_space<semaphore_mem>>
      %dma_wait3A_366 = arith.constant 0 : i32
      %dma_wait3A_367 = arith.constant 0 : i32
      %dma_wait3A_368 = tpu.memref_slice %arg6[%dma_wait3A_355, %dma_wait3A_366, %dma_wait3A_367] : memref<8x32x128xf32, #tpu.memory_space<vmem>> -> memref<1x32x128xf32, #tpu.memory_space<vmem>>
      %dma_wait3A_369 = tpu.memref_squeeze %dma_wait3A_368 : memref<1x32x128xf32, #tpu.memory_space<vmem>> -> memref<32x128xf32, #tpu.memory_space<vmem>>
      %dma_wait3A_370 = arith.constant 0 : i32
      %dma_wait3A_371 = arith.constant 0 : i32
      %dma_wait3A_372 = tpu.memref_slice %arg2[%dma_wait3A_370, %dma_wait3A_371] : memref<32x1000000xf32, #tpu.memory_space<hbm>> -> memref<32x128xf32, #tpu.memory_space<hbm>>
      tpu.wait_dma2 semaphore(%dma_wait3A_365 : memref<!tpu.dma_semaphore, #tpu.memory_space<semaphore_mem>>) src(%dma_wait3A_372 : memref<32x128xf32, #tpu.memory_space<hbm>>) dst(%dma_wait3A_369 : memref<32x128xf32, #tpu.memory_space<vmem>>)
      %slice3A_373 = vector.extract_strided_slice %scan3A_191 {offsets = [4], sizes = [1], strides = [1]} : vector<16xi32> to vector<1xi32>
      %squeeze3A_374 = vector.extract %slice3A_373[0] : i32 from vector<1xi32>
      %mul3A_375 = arith.constant 16 : i32
      %mul3A_376 = arith.muli %scan3A_190, %mul3A_375 : i32
      %add3A_377 = arith.constant 4 : i32
      %add3A_378 = arith.addi %mul3A_376, %add3A_377 : i32
      %and3A_379 = arith.constant 127 : i32
      %and3A_380 = arith.andi %squeeze3A_374, %and3A_379 : i32
      %broadcast_in_dim3A_381 = vector.broadcast %and3A_380 : i32 to vector<16xi32>
      %broadcast_in_dim3A_382 = arith.constant 4 : i32
      %broadcast_in_dim3A_383 = vector.broadcast %broadcast_in_dim3A_382 : i32 to vector<16xi32>
      %broadcast_in_dim3A_384 = vector.broadcast %add3A_378 : i32 to vector<16xi32>
      %gather3A_385 = tpu.vector_load_idx %arg6[%broadcast_in_dim3A_383, %iota3A, %broadcast_in_dim3A_381] : memref<8x32x128xf32, #tpu.memory_space<vmem>>[vector<16xi32>, vector<16xi32>, vector<16xi32>], vector<16xf32>,
      %gather3A_386 = tpu.vector_load_idx %arg6[%broadcast_in_dim3A_383, %add3A_5, %broadcast_in_dim3A_381] : memref<8x32x128xf32, #tpu.memory_space<vmem>>[vector<16xi32>, vector<16xi32>, vector<16xi32>], vector<16xf32>,
      tpu.vector_store_idx %arg7[%iota3A, %broadcast_in_dim3A_384], %gather3A_385 : memref<32x512xf32, #tpu.memory_space<vmem>>[vector<16xi32>, vector<16xi32>], vector<16xf32>,
      tpu.vector_store_idx %arg7[%add3A_5, %broadcast_in_dim3A_384], %gather3A_386 : memref<32x512xf32, #tpu.memory_space<vmem>>[vector<16xi32>, vector<16xi32>], vector<16xf32>,
      %slice3A_387 = vector.extract_strided_slice %scan3A_191 {offsets = [12], sizes = [1], strides = [1]} : vector<16xi32> to vector<1xi32>
      %squeeze3A_388 = vector.extract %slice3A_387[0] : i32 from vector<1xi32>
      %add3A_389 = arith.constant 8 : i32
      %add3A_390 = arith.addi %add3A_378, %add3A_389 : i32
      %lt3A_391 = arith.constant 512 : i32
      %lt3A_392 = arith.cmpi slt, %add3A_390, %lt3A_391 : i32
      %convert_element_type3A_393 = arith.extui %lt3A_392 : i1 to i32
      %cond3A_394 = arith.constant 0 : i32
      %cond3A_395 = arith.cmpi ne, %convert_element_type3A_393, %cond3A_394 : i32
      scf.if %cond3A_395 {
        %shift_right_arithmetic3A_847 = arith.constant 7 : i32
        %shift_right_arithmetic3A_848 = arith.shrsi %squeeze3A_388, %shift_right_arithmetic3A_847 : i32
        %shift_left3A_849 = arith.constant 7 : i32
        %shift_left3A_850 = arith.shli %shift_right_arithmetic3A_848, %shift_left3A_849 : i32
        %multiple_of3A_851 = tpu.assume_multiple %shift_left3A_850, 128 : i32
        %dma_start3A_852 = arith.constant 4 : i32
        %dma_start3A_853 = arith.constant 4 : i32
        %dma_start3A_854 = arith.constant 0 : i32
        %dma_start3A_855 = arith.constant 0 : i32
        %dma_start3A_856 = tpu.memref_slice %arg6[%dma_start3A_852, %dma_start3A_854, %dma_start3A_855] : memref<8x32x128xf32, #tpu.memory_space<vmem>> -> memref<1x32x128xf32, #tpu.memory_space<vmem>>
        %dma_start3A_857 = tpu.memref_squeeze %dma_start3A_856 : memref<1x32x128xf32, #tpu.memory_space<vmem>> -> memref<32x128xf32, #tpu.memory_space<vmem>>
        %dma_start3A_858 = arith.constant 0 : i32
        %dma_start3A_859 = tpu.memref_slice %arg2[%dma_start3A_858, %multiple_of3A_851] : memref<32x1000000xf32, #tpu.memory_space<hbm>> -> memref<32x128xf32, #tpu.memory_space<hbm>>
        %dma_start3A_860 = tpu.memref_slice %arg8[%dma_start3A_853] : memref<8x!tpu.dma_semaphore, #tpu.memory_space<semaphore_mem>> -> memref<1x!tpu.dma_semaphore, #tpu.memory_space<semaphore_mem>>
        %dma_start3A_861 = tpu.memref_squeeze %dma_start3A_860 : memref<1x!tpu.dma_semaphore, #tpu.memory_space<semaphore_mem>> -> memref<!tpu.dma_semaphore, #tpu.memory_space<semaphore_mem>>
        %dma_start3A_862 = arith.constant 0 : i32
        %dma_start3A_863 = arith.constant 0 : i32
        %dma_start3A_864 = tpu.memref_slice %arg6[%dma_start3A_852, %dma_start3A_862, %dma_start3A_863] : memref<8x32x128xf32, #tpu.memory_space<vmem>> -> memref<1x32x128xf32, #tpu.memory_space<vmem>>
        %dma_start3A_865 = tpu.memref_squeeze %dma_start3A_864 : memref<1x32x128xf32, #tpu.memory_space<vmem>> -> memref<32x128xf32, #tpu.memory_space<vmem>>
        %dma_start3A_866 = arith.constant 0 : i32
        %dma_start3A_867 = tpu.memref_slice %arg2[%dma_start3A_866, %multiple_of3A_851] : memref<32x1000000xf32, #tpu.memory_space<hbm>> -> memref<32x128xf32, #tpu.memory_space<hbm>>
        tpu.enqueue_dma source(%dma_start3A_867 : memref<32x128xf32, #tpu.memory_space<hbm>>) target(%dma_start3A_865 : memref<32x128xf32, #tpu.memory_space<vmem>>) target_semaphore(%dma_start3A_861 : memref<!tpu.dma_semaphore, #tpu.memory_space<semaphore_mem>>)
      } else {
      }
      %dma_wait3A_396 = arith.constant 5 : i32
      %dma_wait3A_397 = arith.constant 5 : i32
      %dma_wait3A_398 = arith.constant 0 : i32
      %dma_wait3A_399 = arith.constant 0 : i32
      %dma_wait3A_400 = tpu.memref_slice %arg6[%dma_wait3A_396, %dma_wait3A_398, %dma_wait3A_399] : memref<8x32x128xf32, #tpu.memory_space<vmem>> -> memref<1x32x128xf32, #tpu.memory_space<vmem>>
      %dma_wait3A_401 = tpu.memref_squeeze %dma_wait3A_400 : memref<1x32x128xf32, #tpu.memory_space<vmem>> -> memref<32x128xf32, #tpu.memory_space<vmem>>
      %dma_wait3A_402 = arith.constant 0 : i32
      %dma_wait3A_403 = arith.constant 0 : i32
      %dma_wait3A_404 = tpu.memref_slice %arg2[%dma_wait3A_402, %dma_wait3A_403] : memref<32x1000000xf32, #tpu.memory_space<hbm>> -> memref<32x128xf32, #tpu.memory_space<hbm>>
      %dma_wait3A_405 = tpu.memref_slice %arg8[%dma_wait3A_397] : memref<8x!tpu.dma_semaphore, #tpu.memory_space<semaphore_mem>> -> memref<1x!tpu.dma_semaphore, #tpu.memory_space<semaphore_mem>>
      %dma_wait3A_406 = tpu.memref_squeeze %dma_wait3A_405 : memref<1x!tpu.dma_semaphore, #tpu.memory_space<semaphore_mem>> -> memref<!tpu.dma_semaphore, #tpu.memory_space<semaphore_mem>>
      %dma_wait3A_407 = arith.constant 0 : i32
      %dma_wait3A_408 = arith.constant 0 : i32
      %dma_wait3A_409 = tpu.memref_slice %arg6[%dma_wait3A_396, %dma_wait3A_407, %dma_wait3A_408] : memref<8x32x128xf32, #tpu.memory_space<vmem>> -> memref<1x32x128xf32, #tpu.memory_space<vmem>>
      %dma_wait3A_410 = tpu.memref_squeeze %dma_wait3A_409 : memref<1x32x128xf32, #tpu.memory_space<vmem>> -> memref<32x128xf32, #tpu.memory_space<vmem>>
      %dma_wait3A_411 = arith.constant 0 : i32
      %dma_wait3A_412 = arith.constant 0 : i32
      %dma_wait3A_413 = tpu.memref_slice %arg2[%dma_wait3A_411, %dma_wait3A_412] : memref<32x1000000xf32, #tpu.memory_space<hbm>> -> memref<32x128xf32, #tpu.memory_space<hbm>>
      tpu.wait_dma2 semaphore(%dma_wait3A_406 : memref<!tpu.dma_semaphore, #tpu.memory_space<semaphore_mem>>) src(%dma_wait3A_413 : memref<32x128xf32, #tpu.memory_space<hbm>>) dst(%dma_wait3A_410 : memref<32x128xf32, #tpu.memory_space<vmem>>)
      %slice3A_414 = vector.extract_strided_slice %scan3A_191 {offsets = [5], sizes = [1], strides = [1]} : vector<16xi32> to vector<1xi32>
      %squeeze3A_415 = vector.extract %slice3A_414[0] : i32 from vector<1xi32>
      %mul3A_416 = arith.constant 16 : i32
      %mul3A_417 = arith.muli %scan3A_190, %mul3A_416 : i32
      %add3A_418 = arith.constant 5 : i32
      %add3A_419 = arith.addi %mul3A_417, %add3A_418 : i32
      %and3A_420 = arith.constant 127 : i32
      %and3A_421 = arith.andi %squeeze3A_415, %and3A_420 : i32
      %broadcast_in_dim3A_422 = vector.broadcast %and3A_421 : i32 to vector<16xi32>
      %broadcast_in_dim3A_423 = arith.constant 5 : i32
      %broadcast_in_dim3A_424 = vector.broadcast %broadcast_in_dim3A_423 : i32 to vector<16xi32>
      %broadcast_in_dim3A_425 = vector.broadcast %add3A_419 : i32 to vector<16xi32>
      %gather3A_426 = tpu.vector_load_idx %arg6[%broadcast_in_dim3A_424, %iota3A, %broadcast_in_dim3A_422] : memref<8x32x128xf32, #tpu.memory_space<vmem>>[vector<16xi32>, vector<16xi32>, vector<16xi32>], vector<16xf32>,
      %gather3A_427 = tpu.vector_load_idx %arg6[%broadcast_in_dim3A_424, %add3A_5, %broadcast_in_dim3A_422] : memref<8x32x128xf32, #tpu.memory_space<vmem>>[vector<16xi32>, vector<16xi32>, vector<16xi32>], vector<16xf32>,
      tpu.vector_store_idx %arg7[%iota3A, %broadcast_in_dim3A_425], %gather3A_426 : memref<32x512xf32, #tpu.memory_space<vmem>>[vector<16xi32>, vector<16xi32>], vector<16xf32>,
      tpu.vector_store_idx %arg7[%add3A_5, %broadcast_in_dim3A_425], %gather3A_427 : memref<32x512xf32, #tpu.memory_space<vmem>>[vector<16xi32>, vector<16xi32>], vector<16xf32>,
      %slice3A_428 = vector.extract_strided_slice %scan3A_191 {offsets = [13], sizes = [1], strides = [1]} : vector<16xi32> to vector<1xi32>
      %squeeze3A_429 = vector.extract %slice3A_428[0] : i32 from vector<1xi32>
      %add3A_430 = arith.constant 8 : i32
      %add3A_431 = arith.addi %add3A_419, %add3A_430 : i32
      %lt3A_432 = arith.constant 512 : i32
      %lt3A_433 = arith.cmpi slt, %add3A_431, %lt3A_432 : i32
      %convert_element_type3A_434 = arith.extui %lt3A_433 : i1 to i32
      %cond3A_435 = arith.constant 0 : i32
      %cond3A_436 = arith.cmpi ne, %convert_element_type3A_434, %cond3A_435 : i32
      scf.if %cond3A_436 {
        %shift_right_arithmetic3A_847 = arith.constant 7 : i32
        %shift_right_arithmetic3A_848 = arith.shrsi %squeeze3A_429, %shift_right_arithmetic3A_847 : i32
        %shift_left3A_849 = arith.constant 7 : i32
        %shift_left3A_850 = arith.shli %shift_right_arithmetic3A_848, %shift_left3A_849 : i32
        %multiple_of3A_851 = tpu.assume_multiple %shift_left3A_850, 128 : i32
        %dma_start3A_852 = arith.constant 5 : i32
        %dma_start3A_853 = arith.constant 5 : i32
        %dma_start3A_854 = arith.constant 0 : i32
        %dma_start3A_855 = arith.constant 0 : i32
        %dma_start3A_856 = tpu.memref_slice %arg6[%dma_start3A_852, %dma_start3A_854, %dma_start3A_855] : memref<8x32x128xf32, #tpu.memory_space<vmem>> -> memref<1x32x128xf32, #tpu.memory_space<vmem>>
        %dma_start3A_857 = tpu.memref_squeeze %dma_start3A_856 : memref<1x32x128xf32, #tpu.memory_space<vmem>> -> memref<32x128xf32, #tpu.memory_space<vmem>>
        %dma_start3A_858 = arith.constant 0 : i32
        %dma_start3A_859 = tpu.memref_slice %arg2[%dma_start3A_858, %multiple_of3A_851] : memref<32x1000000xf32, #tpu.memory_space<hbm>> -> memref<32x128xf32, #tpu.memory_space<hbm>>
        %dma_start3A_860 = tpu.memref_slice %arg8[%dma_start3A_853] : memref<8x!tpu.dma_semaphore, #tpu.memory_space<semaphore_mem>> -> memref<1x!tpu.dma_semaphore, #tpu.memory_space<semaphore_mem>>
        %dma_start3A_861 = tpu.memref_squeeze %dma_start3A_860 : memref<1x!tpu.dma_semaphore, #tpu.memory_space<semaphore_mem>> -> memref<!tpu.dma_semaphore, #tpu.memory_space<semaphore_mem>>
        %dma_start3A_862 = arith.constant 0 : i32
        %dma_start3A_863 = arith.constant 0 : i32
        %dma_start3A_864 = tpu.memref_slice %arg6[%dma_start3A_852, %dma_start3A_862, %dma_start3A_863] : memref<8x32x128xf32, #tpu.memory_space<vmem>> -> memref<1x32x128xf32, #tpu.memory_space<vmem>>
        %dma_start3A_865 = tpu.memref_squeeze %dma_start3A_864 : memref<1x32x128xf32, #tpu.memory_space<vmem>> -> memref<32x128xf32, #tpu.memory_space<vmem>>
        %dma_start3A_866 = arith.constant 0 : i32
        %dma_start3A_867 = tpu.memref_slice %arg2[%dma_start3A_866, %multiple_of3A_851] : memref<32x1000000xf32, #tpu.memory_space<hbm>> -> memref<32x128xf32, #tpu.memory_space<hbm>>
        tpu.enqueue_dma source(%dma_start3A_867 : memref<32x128xf32, #tpu.memory_space<hbm>>) target(%dma_start3A_865 : memref<32x128xf32, #tpu.memory_space<vmem>>) target_semaphore(%dma_start3A_861 : memref<!tpu.dma_semaphore, #tpu.memory_space<semaphore_mem>>)
      } else {
      }
      %dma_wait3A_437 = arith.constant 6 : i32
      %dma_wait3A_438 = arith.constant 6 : i32
      %dma_wait3A_439 = arith.constant 0 : i32
      %dma_wait3A_440 = arith.constant 0 : i32
      %dma_wait3A_441 = tpu.memref_slice %arg6[%dma_wait3A_437, %dma_wait3A_439, %dma_wait3A_440] : memref<8x32x128xf32, #tpu.memory_space<vmem>> -> memref<1x32x128xf32, #tpu.memory_space<vmem>>
      %dma_wait3A_442 = tpu.memref_squeeze %dma_wait3A_441 : memref<1x32x128xf32, #tpu.memory_space<vmem>> -> memref<32x128xf32, #tpu.memory_space<vmem>>
      %dma_wait3A_443 = arith.constant 0 : i32
      %dma_wait3A_444 = arith.constant 0 : i32
      %dma_wait3A_445 = tpu.memref_slice %arg2[%dma_wait3A_443, %dma_wait3A_444] : memref<32x1000000xf32, #tpu.memory_space<hbm>> -> memref<32x128xf32, #tpu.memory_space<hbm>>
      %dma_wait3A_446 = tpu.memref_slice %arg8[%dma_wait3A_438] : memref<8x!tpu.dma_semaphore, #tpu.memory_space<semaphore_mem>> -> memref<1x!tpu.dma_semaphore, #tpu.memory_space<semaphore_mem>>
      %dma_wait3A_447 = tpu.memref_squeeze %dma_wait3A_446 : memref<1x!tpu.dma_semaphore, #tpu.memory_space<semaphore_mem>> -> memref<!tpu.dma_semaphore, #tpu.memory_space<semaphore_mem>>
      %dma_wait3A_448 = arith.constant 0 : i32
      %dma_wait3A_449 = arith.constant 0 : i32
      %dma_wait3A_450 = tpu.memref_slice %arg6[%dma_wait3A_437, %dma_wait3A_448, %dma_wait3A_449] : memref<8x32x128xf32, #tpu.memory_space<vmem>> -> memref<1x32x128xf32, #tpu.memory_space<vmem>>
      %dma_wait3A_451 = tpu.memref_squeeze %dma_wait3A_450 : memref<1x32x128xf32, #tpu.memory_space<vmem>> -> memref<32x128xf32, #tpu.memory_space<vmem>>
      %dma_wait3A_452 = arith.constant 0 : i32
      %dma_wait3A_453 = arith.constant 0 : i32
      %dma_wait3A_454 = tpu.memref_slice %arg2[%dma_wait3A_452, %dma_wait3A_453] : memref<32x1000000xf32, #tpu.memory_space<hbm>> -> memref<32x128xf32, #tpu.memory_space<hbm>>
      tpu.wait_dma2 semaphore(%dma_wait3A_447 : memref<!tpu.dma_semaphore, #tpu.memory_space<semaphore_mem>>) src(%dma_wait3A_454 : memref<32x128xf32, #tpu.memory_space<hbm>>) dst(%dma_wait3A_451 : memref<32x128xf32, #tpu.memory_space<vmem>>)
      %slice3A_455 = vector.extract_strided_slice %scan3A_191 {offsets = [6], sizes = [1], strides = [1]} : vector<16xi32> to vector<1xi32>
      %squeeze3A_456 = vector.extract %slice3A_455[0] : i32 from vector<1xi32>
      %mul3A_457 = arith.constant 16 : i32
      %mul3A_458 = arith.muli %scan3A_190, %mul3A_457 : i32
      %add3A_459 = arith.constant 6 : i32
      %add3A_460 = arith.addi %mul3A_458, %add3A_459 : i32
      %and3A_461 = arith.constant 127 : i32
      %and3A_462 = arith.andi %squeeze3A_456, %and3A_461 : i32
      %broadcast_in_dim3A_463 = vector.broadcast %and3A_462 : i32 to vector<16xi32>
      %broadcast_in_dim3A_464 = arith.constant 6 : i32
      %broadcast_in_dim3A_465 = vector.broadcast %broadcast_in_dim3A_464 : i32 to vector<16xi32>
      %broadcast_in_dim3A_466 = vector.broadcast %add3A_460 : i32 to vector<16xi32>
      %gather3A_467 = tpu.vector_load_idx %arg6[%broadcast_in_dim3A_465, %iota3A, %broadcast_in_dim3A_463] : memref<8x32x128xf32, #tpu.memory_space<vmem>>[vector<16xi32>, vector<16xi32>, vector<16xi32>], vector<16xf32>,
      %gather3A_468 = tpu.vector_load_idx %arg6[%broadcast_in_dim3A_465, %add3A_5, %broadcast_in_dim3A_463] : memref<8x32x128xf32, #tpu.memory_space<vmem>>[vector<16xi32>, vector<16xi32>, vector<16xi32>], vector<16xf32>,
      tpu.vector_store_idx %arg7[%iota3A, %broadcast_in_dim3A_466], %gather3A_467 : memref<32x512xf32, #tpu.memory_space<vmem>>[vector<16xi32>, vector<16xi32>], vector<16xf32>,
      tpu.vector_store_idx %arg7[%add3A_5, %broadcast_in_dim3A_466], %gather3A_468 : memref<32x512xf32, #tpu.memory_space<vmem>>[vector<16xi32>, vector<16xi32>], vector<16xf32>,
      %slice3A_469 = vector.extract_strided_slice %scan3A_191 {offsets = [14], sizes = [1], strides = [1]} : vector<16xi32> to vector<1xi32>
      %squeeze3A_470 = vector.extract %slice3A_469[0] : i32 from vector<1xi32>
      %add3A_471 = arith.constant 8 : i32
      %add3A_472 = arith.addi %add3A_460, %add3A_471 : i32
      %lt3A_473 = arith.constant 512 : i32
      %lt3A_474 = arith.cmpi slt, %add3A_472, %lt3A_473 : i32
      %convert_element_type3A_475 = arith.extui %lt3A_474 : i1 to i32
      %cond3A_476 = arith.constant 0 : i32
      %cond3A_477 = arith.cmpi ne, %convert_element_type3A_475, %cond3A_476 : i32
      scf.if %cond3A_477 {
        %shift_right_arithmetic3A_847 = arith.constant 7 : i32
        %shift_right_arithmetic3A_848 = arith.shrsi %squeeze3A_470, %shift_right_arithmetic3A_847 : i32
        %shift_left3A_849 = arith.constant 7 : i32
        %shift_left3A_850 = arith.shli %shift_right_arithmetic3A_848, %shift_left3A_849 : i32
        %multiple_of3A_851 = tpu.assume_multiple %shift_left3A_850, 128 : i32
        %dma_start3A_852 = arith.constant 6 : i32
        %dma_start3A_853 = arith.constant 6 : i32
        %dma_start3A_854 = arith.constant 0 : i32
        %dma_start3A_855 = arith.constant 0 : i32
        %dma_start3A_856 = tpu.memref_slice %arg6[%dma_start3A_852, %dma_start3A_854, %dma_start3A_855] : memref<8x32x128xf32, #tpu.memory_space<vmem>> -> memref<1x32x128xf32, #tpu.memory_space<vmem>>
        %dma_start3A_857 = tpu.memref_squeeze %dma_start3A_856 : memref<1x32x128xf32, #tpu.memory_space<vmem>> -> memref<32x128xf32, #tpu.memory_space<vmem>>
        %dma_start3A_858 = arith.constant 0 : i32
        %dma_start3A_859 = tpu.memref_slice %arg2[%dma_start3A_858, %multiple_of3A_851] : memref<32x1000000xf32, #tpu.memory_space<hbm>> -> memref<32x128xf32, #tpu.memory_space<hbm>>
        %dma_start3A_860 = tpu.memref_slice %arg8[%dma_start3A_853] : memref<8x!tpu.dma_semaphore, #tpu.memory_space<semaphore_mem>> -> memref<1x!tpu.dma_semaphore, #tpu.memory_space<semaphore_mem>>
        %dma_start3A_861 = tpu.memref_squeeze %dma_start3A_860 : memref<1x!tpu.dma_semaphore, #tpu.memory_space<semaphore_mem>> -> memref<!tpu.dma_semaphore, #tpu.memory_space<semaphore_mem>>
        %dma_start3A_862 = arith.constant 0 : i32
        %dma_start3A_863 = arith.constant 0 : i32
        %dma_start3A_864 = tpu.memref_slice %arg6[%dma_start3A_852, %dma_start3A_862, %dma_start3A_863] : memref<8x32x128xf32, #tpu.memory_space<vmem>> -> memref<1x32x128xf32, #tpu.memory_space<vmem>>
        %dma_start3A_865 = tpu.memref_squeeze %dma_start3A_864 : memref<1x32x128xf32, #tpu.memory_space<vmem>> -> memref<32x128xf32, #tpu.memory_space<vmem>>
        %dma_start3A_866 = arith.constant 0 : i32
        %dma_start3A_867 = tpu.memref_slice %arg2[%dma_start3A_866, %multiple_of3A_851] : memref<32x1000000xf32, #tpu.memory_space<hbm>> -> memref<32x128xf32, #tpu.memory_space<hbm>>
        tpu.enqueue_dma source(%dma_start3A_867 : memref<32x128xf32, #tpu.memory_space<hbm>>) target(%dma_start3A_865 : memref<32x128xf32, #tpu.memory_space<vmem>>) target_semaphore(%dma_start3A_861 : memref<!tpu.dma_semaphore, #tpu.memory_space<semaphore_mem>>)
      } else {
      }
      %dma_wait3A_478 = arith.constant 7 : i32
      %dma_wait3A_479 = arith.constant 7 : i32
      %dma_wait3A_480 = arith.constant 0 : i32
      %dma_wait3A_481 = arith.constant 0 : i32
      %dma_wait3A_482 = tpu.memref_slice %arg6[%dma_wait3A_478, %dma_wait3A_480, %dma_wait3A_481] : memref<8x32x128xf32, #tpu.memory_space<vmem>> -> memref<1x32x128xf32, #tpu.memory_space<vmem>>
      %dma_wait3A_483 = tpu.memref_squeeze %dma_wait3A_482 : memref<1x32x128xf32, #tpu.memory_space<vmem>> -> memref<32x128xf32, #tpu.memory_space<vmem>>
      %dma_wait3A_484 = arith.constant 0 : i32
      %dma_wait3A_485 = arith.constant 0 : i32
      %dma_wait3A_486 = tpu.memref_slice %arg2[%dma_wait3A_484, %dma_wait3A_485] : memref<32x1000000xf32, #tpu.memory_space<hbm>> -> memref<32x128xf32, #tpu.memory_space<hbm>>
      %dma_wait3A_487 = tpu.memref_slice %arg8[%dma_wait3A_479] : memref<8x!tpu.dma_semaphore, #tpu.memory_space<semaphore_mem>> -> memref<1x!tpu.dma_semaphore, #tpu.memory_space<semaphore_mem>>
      %dma_wait3A_488 = tpu.memref_squeeze %dma_wait3A_487 : memref<1x!tpu.dma_semaphore, #tpu.memory_space<semaphore_mem>> -> memref<!tpu.dma_semaphore, #tpu.memory_space<semaphore_mem>>
      %dma_wait3A_489 = arith.constant 0 : i32
      %dma_wait3A_490 = arith.constant 0 : i32
      %dma_wait3A_491 = tpu.memref_slice %arg6[%dma_wait3A_478, %dma_wait3A_489, %dma_wait3A_490] : memref<8x32x128xf32, #tpu.memory_space<vmem>> -> memref<1x32x128xf32, #tpu.memory_space<vmem>>
      %dma_wait3A_492 = tpu.memref_squeeze %dma_wait3A_491 : memref<1x32x128xf32, #tpu.memory_space<vmem>> -> memref<32x128xf32, #tpu.memory_space<vmem>>
      %dma_wait3A_493 = arith.constant 0 : i32
      %dma_wait3A_494 = arith.constant 0 : i32
      %dma_wait3A_495 = tpu.memref_slice %arg2[%dma_wait3A_493, %dma_wait3A_494] : memref<32x1000000xf32, #tpu.memory_space<hbm>> -> memref<32x128xf32, #tpu.memory_space<hbm>>
      tpu.wait_dma2 semaphore(%dma_wait3A_488 : memref<!tpu.dma_semaphore, #tpu.memory_space<semaphore_mem>>) src(%dma_wait3A_495 : memref<32x128xf32, #tpu.memory_space<hbm>>) dst(%dma_wait3A_492 : memref<32x128xf32, #tpu.memory_space<vmem>>)
      %slice3A_496 = vector.extract_strided_slice %scan3A_191 {offsets = [7], sizes = [1], strides = [1]} : vector<16xi32> to vector<1xi32>
      %squeeze3A_497 = vector.extract %slice3A_496[0] : i32 from vector<1xi32>
      %mul3A_498 = arith.constant 16 : i32
      %mul3A_499 = arith.muli %scan3A_190, %mul3A_498 : i32
      %add3A_500 = arith.constant 7 : i32
      %add3A_501 = arith.addi %mul3A_499, %add3A_500 : i32
      %and3A_502 = arith.constant 127 : i32
      %and3A_503 = arith.andi %squeeze3A_497, %and3A_502 : i32
      %broadcast_in_dim3A_504 = vector.broadcast %and3A_503 : i32 to vector<16xi32>
      %broadcast_in_dim3A_505 = arith.constant 7 : i32
      %broadcast_in_dim3A_506 = vector.broadcast %broadcast_in_dim3A_505 : i32 to vector<16xi32>
      %broadcast_in_dim3A_507 = vector.broadcast %add3A_501 : i32 to vector<16xi32>
      %gather3A_508 = tpu.vector_load_idx %arg6[%broadcast_in_dim3A_506, %iota3A, %broadcast_in_dim3A_504] : memref<8x32x128xf32, #tpu.memory_space<vmem>>[vector<16xi32>, vector<16xi32>, vector<16xi32>], vector<16xf32>,
      %gather3A_509 = tpu.vector_load_idx %arg6[%broadcast_in_dim3A_506, %add3A_5, %broadcast_in_dim3A_504] : memref<8x32x128xf32, #tpu.memory_space<vmem>>[vector<16xi32>, vector<16xi32>, vector<16xi32>], vector<16xf32>,
      tpu.vector_store_idx %arg7[%iota3A, %broadcast_in_dim3A_507], %gather3A_508 : memref<32x512xf32, #tpu.memory_space<vmem>>[vector<16xi32>, vector<16xi32>], vector<16xf32>,
      tpu.vector_store_idx %arg7[%add3A_5, %broadcast_in_dim3A_507], %gather3A_509 : memref<32x512xf32, #tpu.memory_space<vmem>>[vector<16xi32>, vector<16xi32>], vector<16xf32>,
      %slice3A_510 = vector.extract_strided_slice %scan3A_191 {offsets = [15], sizes = [1], strides = [1]} : vector<16xi32> to vector<1xi32>
      %squeeze3A_511 = vector.extract %slice3A_510[0] : i32 from vector<1xi32>
      %add3A_512 = arith.constant 8 : i32
      %add3A_513 = arith.addi %add3A_501, %add3A_512 : i32
      %lt3A_514 = arith.constant 512 : i32
      %lt3A_515 = arith.cmpi slt, %add3A_513, %lt3A_514 : i32
      %convert_element_type3A_516 = arith.extui %lt3A_515 : i1 to i32
      %cond3A_517 = arith.constant 0 : i32
      %cond3A_518 = arith.cmpi ne, %convert_element_type3A_516, %cond3A_517 : i32
      scf.if %cond3A_518 {
        %shift_right_arithmetic3A_847 = arith.constant 7 : i32
        %shift_right_arithmetic3A_848 = arith.shrsi %squeeze3A_511, %shift_right_arithmetic3A_847 : i32
        %shift_left3A_849 = arith.constant 7 : i32
        %shift_left3A_850 = arith.shli %shift_right_arithmetic3A_848, %shift_left3A_849 : i32
        %multiple_of3A_851 = tpu.assume_multiple %shift_left3A_850, 128 : i32
        %dma_start3A_852 = arith.constant 7 : i32
        %dma_start3A_853 = arith.constant 7 : i32
        %dma_start3A_854 = arith.constant 0 : i32
        %dma_start3A_855 = arith.constant 0 : i32
        %dma_start3A_856 = tpu.memref_slice %arg6[%dma_start3A_852, %dma_start3A_854, %dma_start3A_855] : memref<8x32x128xf32, #tpu.memory_space<vmem>> -> memref<1x32x128xf32, #tpu.memory_space<vmem>>
        %dma_start3A_857 = tpu.memref_squeeze %dma_start3A_856 : memref<1x32x128xf32, #tpu.memory_space<vmem>> -> memref<32x128xf32, #tpu.memory_space<vmem>>
        %dma_start3A_858 = arith.constant 0 : i32
        %dma_start3A_859 = tpu.memref_slice %arg2[%dma_start3A_858, %multiple_of3A_851] : memref<32x1000000xf32, #tpu.memory_space<hbm>> -> memref<32x128xf32, #tpu.memory_space<hbm>>
        %dma_start3A_860 = tpu.memref_slice %arg8[%dma_start3A_853] : memref<8x!tpu.dma_semaphore, #tpu.memory_space<semaphore_mem>> -> memref<1x!tpu.dma_semaphore, #tpu.memory_space<semaphore_mem>>
        %dma_start3A_861 = tpu.memref_squeeze %dma_start3A_860 : memref<1x!tpu.dma_semaphore, #tpu.memory_space<semaphore_mem>> -> memref<!tpu.dma_semaphore, #tpu.memory_space<semaphore_mem>>
        %dma_start3A_862 = arith.constant 0 : i32
        %dma_start3A_863 = arith.constant 0 : i32
        %dma_start3A_864 = tpu.memref_slice %arg6[%dma_start3A_852, %dma_start3A_862, %dma_start3A_863] : memref<8x32x128xf32, #tpu.memory_space<vmem>> -> memref<1x32x128xf32, #tpu.memory_space<vmem>>
        %dma_start3A_865 = tpu.memref_squeeze %dma_start3A_864 : memref<1x32x128xf32, #tpu.memory_space<vmem>> -> memref<32x128xf32, #tpu.memory_space<vmem>>
        %dma_start3A_866 = arith.constant 0 : i32
        %dma_start3A_867 = tpu.memref_slice %arg2[%dma_start3A_866, %multiple_of3A_851] : memref<32x1000000xf32, #tpu.memory_space<hbm>> -> memref<32x128xf32, #tpu.memory_space<hbm>>
        tpu.enqueue_dma source(%dma_start3A_867 : memref<32x128xf32, #tpu.memory_space<hbm>>) target(%dma_start3A_865 : memref<32x128xf32, #tpu.memory_space<vmem>>) target_semaphore(%dma_start3A_861 : memref<!tpu.dma_semaphore, #tpu.memory_space<semaphore_mem>>)
      } else {
      }
      %dma_wait3A_519 = arith.constant 0 : i32
      %dma_wait3A_520 = arith.constant 0 : i32
      %dma_wait3A_521 = arith.constant 0 : i32
      %dma_wait3A_522 = arith.constant 0 : i32
      %dma_wait3A_523 = tpu.memref_slice %arg6[%dma_wait3A_519, %dma_wait3A_521, %dma_wait3A_522] : memref<8x32x128xf32, #tpu.memory_space<vmem>> -> memref<1x32x128xf32, #tpu.memory_space<vmem>>
      %dma_wait3A_524 = tpu.memref_squeeze %dma_wait3A_523 : memref<1x32x128xf32, #tpu.memory_space<vmem>> -> memref<32x128xf32, #tpu.memory_space<vmem>>
      %dma_wait3A_525 = arith.constant 0 : i32
      %dma_wait3A_526 = arith.constant 0 : i32
      %dma_wait3A_527 = tpu.memref_slice %arg2[%dma_wait3A_525, %dma_wait3A_526] : memref<32x1000000xf32, #tpu.memory_space<hbm>> -> memref<32x128xf32, #tpu.memory_space<hbm>>
      %dma_wait3A_528 = tpu.memref_slice %arg8[%dma_wait3A_520] : memref<8x!tpu.dma_semaphore, #tpu.memory_space<semaphore_mem>> -> memref<1x!tpu.dma_semaphore, #tpu.memory_space<semaphore_mem>>
      %dma_wait3A_529 = tpu.memref_squeeze %dma_wait3A_528 : memref<1x!tpu.dma_semaphore, #tpu.memory_space<semaphore_mem>> -> memref<!tpu.dma_semaphore, #tpu.memory_space<semaphore_mem>>
      %dma_wait3A_530 = arith.constant 0 : i32
      %dma_wait3A_531 = arith.constant 0 : i32
      %dma_wait3A_532 = tpu.memref_slice %arg6[%dma_wait3A_519, %dma_wait3A_530, %dma_wait3A_531] : memref<8x32x128xf32, #tpu.memory_space<vmem>> -> memref<1x32x128xf32, #tpu.memory_space<vmem>>
      %dma_wait3A_533 = tpu.memref_squeeze %dma_wait3A_532 : memref<1x32x128xf32, #tpu.memory_space<vmem>> -> memref<32x128xf32, #tpu.memory_space<vmem>>
      %dma_wait3A_534 = arith.constant 0 : i32
      %dma_wait3A_535 = arith.constant 0 : i32
      %dma_wait3A_536 = tpu.memref_slice %arg2[%dma_wait3A_534, %dma_wait3A_535] : memref<32x1000000xf32, #tpu.memory_space<hbm>> -> memref<32x128xf32, #tpu.memory_space<hbm>>
      tpu.wait_dma2 semaphore(%dma_wait3A_529 : memref<!tpu.dma_semaphore, #tpu.memory_space<semaphore_mem>>) src(%dma_wait3A_536 : memref<32x128xf32, #tpu.memory_space<hbm>>) dst(%dma_wait3A_533 : memref<32x128xf32, #tpu.memory_space<vmem>>)
      %slice3A_537 = vector.extract_strided_slice %scan3A_191 {offsets = [8], sizes = [1], strides = [1]} : vector<16xi32> to vector<1xi32>
      %squeeze3A_538 = vector.extract %slice3A_537[0] : i32 from vector<1xi32>
      %mul3A_539 = arith.constant 16 : i32
      %mul3A_540 = arith.muli %scan3A_190, %mul3A_539 : i32
      %add3A_541 = arith.constant 8 : i32
      %add3A_542 = arith.addi %mul3A_540, %add3A_541 : i32
      %and3A_543 = arith.constant 127 : i32
      %and3A_544 = arith.andi %squeeze3A_538, %and3A_543 : i32
      %broadcast_in_dim3A_545 = vector.broadcast %and3A_544 : i32 to vector<16xi32>
      %broadcast_in_dim3A_546 = arith.constant 0 : i32
      %broadcast_in_dim3A_547 = vector.broadcast %broadcast_in_dim3A_546 : i32 to vector<16xi32>
      %broadcast_in_dim3A_548 = vector.broadcast %add3A_542 : i32 to vector<16xi32>
      %gather3A_549 = tpu.vector_load_idx %arg6[%broadcast_in_dim3A_547, %iota3A, %broadcast_in_dim3A_545] : memref<8x32x128xf32, #tpu.memory_space<vmem>>[vector<16xi32>, vector<16xi32>, vector<16xi32>], vector<16xf32>,
      %gather3A_550 = tpu.vector_load_idx %arg6[%broadcast_in_dim3A_547, %add3A_5, %broadcast_in_dim3A_545] : memref<8x32x128xf32, #tpu.memory_space<vmem>>[vector<16xi32>, vector<16xi32>, vector<16xi32>], vector<16xf32>,
      tpu.vector_store_idx %arg7[%iota3A, %broadcast_in_dim3A_548], %gather3A_549 : memref<32x512xf32, #tpu.memory_space<vmem>>[vector<16xi32>, vector<16xi32>], vector<16xf32>,
      tpu.vector_store_idx %arg7[%add3A_5, %broadcast_in_dim3A_548], %gather3A_550 : memref<32x512xf32, #tpu.memory_space<vmem>>[vector<16xi32>, vector<16xi32>], vector<16xf32>,
      %slice3A_551 = vector.extract_strided_slice %get3A_197 {offsets = [0], sizes = [1], strides = [1]} : vector<16xi32> to vector<1xi32>
      %squeeze3A_552 = vector.extract %slice3A_551[0] : i32 from vector<1xi32>
      %add3A_553 = arith.constant 8 : i32
      %add3A_554 = arith.addi %add3A_542, %add3A_553 : i32
      %lt3A_555 = arith.constant 512 : i32
      %lt3A_556 = arith.cmpi slt, %add3A_554, %lt3A_555 : i32
      %convert_element_type3A_557 = arith.extui %lt3A_556 : i1 to i32
      %cond3A_558 = arith.constant 0 : i32
      %cond3A_559 = arith.cmpi ne, %convert_element_type3A_557, %cond3A_558 : i32
      scf.if %cond3A_559 {
        %shift_right_arithmetic3A_847 = arith.constant 7 : i32
        %shift_right_arithmetic3A_848 = arith.shrsi %squeeze3A_552, %shift_right_arithmetic3A_847 : i32
        %shift_left3A_849 = arith.constant 7 : i32
        %shift_left3A_850 = arith.shli %shift_right_arithmetic3A_848, %shift_left3A_849 : i32
        %multiple_of3A_851 = tpu.assume_multiple %shift_left3A_850, 128 : i32
        %dma_start3A_852 = arith.constant 0 : i32
        %dma_start3A_853 = arith.constant 0 : i32
        %dma_start3A_854 = arith.constant 0 : i32
        %dma_start3A_855 = arith.constant 0 : i32
        %dma_start3A_856 = tpu.memref_slice %arg6[%dma_start3A_852, %dma_start3A_854, %dma_start3A_855] : memref<8x32x128xf32, #tpu.memory_space<vmem>> -> memref<1x32x128xf32, #tpu.memory_space<vmem>>
        %dma_start3A_857 = tpu.memref_squeeze %dma_start3A_856 : memref<1x32x128xf32, #tpu.memory_space<vmem>> -> memref<32x128xf32, #tpu.memory_space<vmem>>
        %dma_start3A_858 = arith.constant 0 : i32
        %dma_start3A_859 = tpu.memref_slice %arg2[%dma_start3A_858, %multiple_of3A_851] : memref<32x1000000xf32, #tpu.memory_space<hbm>> -> memref<32x128xf32, #tpu.memory_space<hbm>>
        %dma_start3A_860 = tpu.memref_slice %arg8[%dma_start3A_853] : memref<8x!tpu.dma_semaphore, #tpu.memory_space<semaphore_mem>> -> memref<1x!tpu.dma_semaphore, #tpu.memory_space<semaphore_mem>>
        %dma_start3A_861 = tpu.memref_squeeze %dma_start3A_860 : memref<1x!tpu.dma_semaphore, #tpu.memory_space<semaphore_mem>> -> memref<!tpu.dma_semaphore, #tpu.memory_space<semaphore_mem>>
        %dma_start3A_862 = arith.constant 0 : i32
        %dma_start3A_863 = arith.constant 0 : i32
        %dma_start3A_864 = tpu.memref_slice %arg6[%dma_start3A_852, %dma_start3A_862, %dma_start3A_863] : memref<8x32x128xf32, #tpu.memory_space<vmem>> -> memref<1x32x128xf32, #tpu.memory_space<vmem>>
        %dma_start3A_865 = tpu.memref_squeeze %dma_start3A_864 : memref<1x32x128xf32, #tpu.memory_space<vmem>> -> memref<32x128xf32, #tpu.memory_space<vmem>>
        %dma_start3A_866 = arith.constant 0 : i32
        %dma_start3A_867 = tpu.memref_slice %arg2[%dma_start3A_866, %multiple_of3A_851] : memref<32x1000000xf32, #tpu.memory_space<hbm>> -> memref<32x128xf32, #tpu.memory_space<hbm>>
        tpu.enqueue_dma source(%dma_start3A_867 : memref<32x128xf32, #tpu.memory_space<hbm>>) target(%dma_start3A_865 : memref<32x128xf32, #tpu.memory_space<vmem>>) target_semaphore(%dma_start3A_861 : memref<!tpu.dma_semaphore, #tpu.memory_space<semaphore_mem>>)
      } else {
      }
      %dma_wait3A_560 = arith.constant 1 : i32
      %dma_wait3A_561 = arith.constant 1 : i32
      %dma_wait3A_562 = arith.constant 0 : i32
      %dma_wait3A_563 = arith.constant 0 : i32
      %dma_wait3A_564 = tpu.memref_slice %arg6[%dma_wait3A_560, %dma_wait3A_562, %dma_wait3A_563] : memref<8x32x128xf32, #tpu.memory_space<vmem>> -> memref<1x32x128xf32, #tpu.memory_space<vmem>>
      %dma_wait3A_565 = tpu.memref_squeeze %dma_wait3A_564 : memref<1x32x128xf32, #tpu.memory_space<vmem>> -> memref<32x128xf32, #tpu.memory_space<vmem>>
      %dma_wait3A_566 = arith.constant 0 : i32
      %dma_wait3A_567 = arith.constant 0 : i32
      %dma_wait3A_568 = tpu.memref_slice %arg2[%dma_wait3A_566, %dma_wait3A_567] : memref<32x1000000xf32, #tpu.memory_space<hbm>> -> memref<32x128xf32, #tpu.memory_space<hbm>>
      %dma_wait3A_569 = tpu.memref_slice %arg8[%dma_wait3A_561] : memref<8x!tpu.dma_semaphore, #tpu.memory_space<semaphore_mem>> -> memref<1x!tpu.dma_semaphore, #tpu.memory_space<semaphore_mem>>
      %dma_wait3A_570 = tpu.memref_squeeze %dma_wait3A_569 : memref<1x!tpu.dma_semaphore, #tpu.memory_space<semaphore_mem>> -> memref<!tpu.dma_semaphore, #tpu.memory_space<semaphore_mem>>
      %dma_wait3A_571 = arith.constant 0 : i32
      %dma_wait3A_572 = arith.constant 0 : i32
      %dma_wait3A_573 = tpu.memref_slice %arg6[%dma_wait3A_560, %dma_wait3A_571, %dma_wait3A_572] : memref<8x32x128xf32, #tpu.memory_space<vmem>> -> memref<1x32x128xf32, #tpu.memory_space<vmem>>
      %dma_wait3A_574 = tpu.memref_squeeze %dma_wait3A_573 : memref<1x32x128xf32, #tpu.memory_space<vmem>> -> memref<32x128xf32, #tpu.memory_space<vmem>>
      %dma_wait3A_575 = arith.constant 0 : i32
      %dma_wait3A_576 = arith.constant 0 : i32
      %dma_wait3A_577 = tpu.memref_slice %arg2[%dma_wait3A_575, %dma_wait3A_576] : memref<32x1000000xf32, #tpu.memory_space<hbm>> -> memref<32x128xf32, #tpu.memory_space<hbm>>
      tpu.wait_dma2 semaphore(%dma_wait3A_570 : memref<!tpu.dma_semaphore, #tpu.memory_space<semaphore_mem>>) src(%dma_wait3A_577 : memref<32x128xf32, #tpu.memory_space<hbm>>) dst(%dma_wait3A_574 : memref<32x128xf32, #tpu.memory_space<vmem>>)
      %slice3A_578 = vector.extract_strided_slice %scan3A_191 {offsets = [9], sizes = [1], strides = [1]} : vector<16xi32> to vector<1xi32>
      %squeeze3A_579 = vector.extract %slice3A_578[0] : i32 from vector<1xi32>
      %mul3A_580 = arith.constant 16 : i32
      %mul3A_581 = arith.muli %scan3A_190, %mul3A_580 : i32
      %add3A_582 = arith.constant 9 : i32
      %add3A_583 = arith.addi %mul3A_581, %add3A_582 : i32
      %and3A_584 = arith.constant 127 : i32
      %and3A_585 = arith.andi %squeeze3A_579, %and3A_584 : i32
      %broadcast_in_dim3A_586 = vector.broadcast %and3A_585 : i32 to vector<16xi32>
      %broadcast_in_dim3A_587 = arith.constant 1 : i32
      %broadcast_in_dim3A_588 = vector.broadcast %broadcast_in_dim3A_587 : i32 to vector<16xi32>
      %broadcast_in_dim3A_589 = vector.broadcast %add3A_583 : i32 to vector<16xi32>
      %gather3A_590 = tpu.vector_load_idx %arg6[%broadcast_in_dim3A_588, %iota3A, %broadcast_in_dim3A_586] : memref<8x32x128xf32, #tpu.memory_space<vmem>>[vector<16xi32>, vector<16xi32>, vector<16xi32>], vector<16xf32>,
      %gather3A_591 = tpu.vector_load_idx %arg6[%broadcast_in_dim3A_588, %add3A_5, %broadcast_in_dim3A_586] : memref<8x32x128xf32, #tpu.memory_space<vmem>>[vector<16xi32>, vector<16xi32>, vector<16xi32>], vector<16xf32>,
      tpu.vector_store_idx %arg7[%iota3A, %broadcast_in_dim3A_589], %gather3A_590 : memref<32x512xf32, #tpu.memory_space<vmem>>[vector<16xi32>, vector<16xi32>], vector<16xf32>,
      tpu.vector_store_idx %arg7[%add3A_5, %broadcast_in_dim3A_589], %gather3A_591 : memref<32x512xf32, #tpu.memory_space<vmem>>[vector<16xi32>, vector<16xi32>], vector<16xf32>,
      %slice3A_592 = vector.extract_strided_slice %get3A_197 {offsets = [1], sizes = [1], strides = [1]} : vector<16xi32> to vector<1xi32>
      %squeeze3A_593 = vector.extract %slice3A_592[0] : i32 from vector<1xi32>
      %add3A_594 = arith.constant 8 : i32
      %add3A_595 = arith.addi %add3A_583, %add3A_594 : i32
      %lt3A_596 = arith.constant 512 : i32
      %lt3A_597 = arith.cmpi slt, %add3A_595, %lt3A_596 : i32
      %convert_element_type3A_598 = arith.extui %lt3A_597 : i1 to i32
      %cond3A_599 = arith.constant 0 : i32
      %cond3A_600 = arith.cmpi ne, %convert_element_type3A_598, %cond3A_599 : i32
      scf.if %cond3A_600 {
        %shift_right_arithmetic3A_847 = arith.constant 7 : i32
        %shift_right_arithmetic3A_848 = arith.shrsi %squeeze3A_593, %shift_right_arithmetic3A_847 : i32
        %shift_left3A_849 = arith.constant 7 : i32
        %shift_left3A_850 = arith.shli %shift_right_arithmetic3A_848, %shift_left3A_849 : i32
        %multiple_of3A_851 = tpu.assume_multiple %shift_left3A_850, 128 : i32
        %dma_start3A_852 = arith.constant 1 : i32
        %dma_start3A_853 = arith.constant 1 : i32
        %dma_start3A_854 = arith.constant 0 : i32
        %dma_start3A_855 = arith.constant 0 : i32
        %dma_start3A_856 = tpu.memref_slice %arg6[%dma_start3A_852, %dma_start3A_854, %dma_start3A_855] : memref<8x32x128xf32, #tpu.memory_space<vmem>> -> memref<1x32x128xf32, #tpu.memory_space<vmem>>
        %dma_start3A_857 = tpu.memref_squeeze %dma_start3A_856 : memref<1x32x128xf32, #tpu.memory_space<vmem>> -> memref<32x128xf32, #tpu.memory_space<vmem>>
        %dma_start3A_858 = arith.constant 0 : i32
        %dma_start3A_859 = tpu.memref_slice %arg2[%dma_start3A_858, %multiple_of3A_851] : memref<32x1000000xf32, #tpu.memory_space<hbm>> -> memref<32x128xf32, #tpu.memory_space<hbm>>
        %dma_start3A_860 = tpu.memref_slice %arg8[%dma_start3A_853] : memref<8x!tpu.dma_semaphore, #tpu.memory_space<semaphore_mem>> -> memref<1x!tpu.dma_semaphore, #tpu.memory_space<semaphore_mem>>
        %dma_start3A_861 = tpu.memref_squeeze %dma_start3A_860 : memref<1x!tpu.dma_semaphore, #tpu.memory_space<semaphore_mem>> -> memref<!tpu.dma_semaphore, #tpu.memory_space<semaphore_mem>>
        %dma_start3A_862 = arith.constant 0 : i32
        %dma_start3A_863 = arith.constant 0 : i32
        %dma_start3A_864 = tpu.memref_slice %arg6[%dma_start3A_852, %dma_start3A_862, %dma_start3A_863] : memref<8x32x128xf32, #tpu.memory_space<vmem>> -> memref<1x32x128xf32, #tpu.memory_space<vmem>>
        %dma_start3A_865 = tpu.memref_squeeze %dma_start3A_864 : memref<1x32x128xf32, #tpu.memory_space<vmem>> -> memref<32x128xf32, #tpu.memory_space<vmem>>
        %dma_start3A_866 = arith.constant 0 : i32
        %dma_start3A_867 = tpu.memref_slice %arg2[%dma_start3A_866, %multiple_of3A_851] : memref<32x1000000xf32, #tpu.memory_space<hbm>> -> memref<32x128xf32, #tpu.memory_space<hbm>>
        tpu.enqueue_dma source(%dma_start3A_867 : memref<32x128xf32, #tpu.memory_space<hbm>>) target(%dma_start3A_865 : memref<32x128xf32, #tpu.memory_space<vmem>>) target_semaphore(%dma_start3A_861 : memref<!tpu.dma_semaphore, #tpu.memory_space<semaphore_mem>>)
      } else {
      }
      %dma_wait3A_601 = arith.constant 2 : i32
      %dma_wait3A_602 = arith.constant 2 : i32
      %dma_wait3A_603 = arith.constant 0 : i32
      %dma_wait3A_604 = arith.constant 0 : i32
      %dma_wait3A_605 = tpu.memref_slice %arg6[%dma_wait3A_601, %dma_wait3A_603, %dma_wait3A_604] : memref<8x32x128xf32, #tpu.memory_space<vmem>> -> memref<1x32x128xf32, #tpu.memory_space<vmem>>
      %dma_wait3A_606 = tpu.memref_squeeze %dma_wait3A_605 : memref<1x32x128xf32, #tpu.memory_space<vmem>> -> memref<32x128xf32, #tpu.memory_space<vmem>>
      %dma_wait3A_607 = arith.constant 0 : i32
      %dma_wait3A_608 = arith.constant 0 : i32
      %dma_wait3A_609 = tpu.memref_slice %arg2[%dma_wait3A_607, %dma_wait3A_608] : memref<32x1000000xf32, #tpu.memory_space<hbm>> -> memref<32x128xf32, #tpu.memory_space<hbm>>
      %dma_wait3A_610 = tpu.memref_slice %arg8[%dma_wait3A_602] : memref<8x!tpu.dma_semaphore, #tpu.memory_space<semaphore_mem>> -> memref<1x!tpu.dma_semaphore, #tpu.memory_space<semaphore_mem>>
      %dma_wait3A_611 = tpu.memref_squeeze %dma_wait3A_610 : memref<1x!tpu.dma_semaphore, #tpu.memory_space<semaphore_mem>> -> memref<!tpu.dma_semaphore, #tpu.memory_space<semaphore_mem>>
      %dma_wait3A_612 = arith.constant 0 : i32
      %dma_wait3A_613 = arith.constant 0 : i32
      %dma_wait3A_614 = tpu.memref_slice %arg6[%dma_wait3A_601, %dma_wait3A_612, %dma_wait3A_613] : memref<8x32x128xf32, #tpu.memory_space<vmem>> -> memref<1x32x128xf32, #tpu.memory_space<vmem>>
      %dma_wait3A_615 = tpu.memref_squeeze %dma_wait3A_614 : memref<1x32x128xf32, #tpu.memory_space<vmem>> -> memref<32x128xf32, #tpu.memory_space<vmem>>
      %dma_wait3A_616 = arith.constant 0 : i32
      %dma_wait3A_617 = arith.constant 0 : i32
      %dma_wait3A_618 = tpu.memref_slice %arg2[%dma_wait3A_616, %dma_wait3A_617] : memref<32x1000000xf32, #tpu.memory_space<hbm>> -> memref<32x128xf32, #tpu.memory_space<hbm>>
      tpu.wait_dma2 semaphore(%dma_wait3A_611 : memref<!tpu.dma_semaphore, #tpu.memory_space<semaphore_mem>>) src(%dma_wait3A_618 : memref<32x128xf32, #tpu.memory_space<hbm>>) dst(%dma_wait3A_615 : memref<32x128xf32, #tpu.memory_space<vmem>>)
      %slice3A_619 = vector.extract_strided_slice %scan3A_191 {offsets = [10], sizes = [1], strides = [1]} : vector<16xi32> to vector<1xi32>
      %squeeze3A_620 = vector.extract %slice3A_619[0] : i32 from vector<1xi32>
      %mul3A_621 = arith.constant 16 : i32
      %mul3A_622 = arith.muli %scan3A_190, %mul3A_621 : i32
      %add3A_623 = arith.constant 10 : i32
      %add3A_624 = arith.addi %mul3A_622, %add3A_623 : i32
      %and3A_625 = arith.constant 127 : i32
      %and3A_626 = arith.andi %squeeze3A_620, %and3A_625 : i32
      %broadcast_in_dim3A_627 = vector.broadcast %and3A_626 : i32 to vector<16xi32>
      %broadcast_in_dim3A_628 = arith.constant 2 : i32
      %broadcast_in_dim3A_629 = vector.broadcast %broadcast_in_dim3A_628 : i32 to vector<16xi32>
      %broadcast_in_dim3A_630 = vector.broadcast %add3A_624 : i32 to vector<16xi32>
      %gather3A_631 = tpu.vector_load_idx %arg6[%broadcast_in_dim3A_629, %iota3A, %broadcast_in_dim3A_627] : memref<8x32x128xf32, #tpu.memory_space<vmem>>[vector<16xi32>, vector<16xi32>, vector<16xi32>], vector<16xf32>,
      %gather3A_632 = tpu.vector_load_idx %arg6[%broadcast_in_dim3A_629, %add3A_5, %broadcast_in_dim3A_627] : memref<8x32x128xf32, #tpu.memory_space<vmem>>[vector<16xi32>, vector<16xi32>, vector<16xi32>], vector<16xf32>,
      tpu.vector_store_idx %arg7[%iota3A, %broadcast_in_dim3A_630], %gather3A_631 : memref<32x512xf32, #tpu.memory_space<vmem>>[vector<16xi32>, vector<16xi32>], vector<16xf32>,
      tpu.vector_store_idx %arg7[%add3A_5, %broadcast_in_dim3A_630], %gather3A_632 : memref<32x512xf32, #tpu.memory_space<vmem>>[vector<16xi32>, vector<16xi32>], vector<16xf32>,
      %slice3A_633 = vector.extract_strided_slice %get3A_197 {offsets = [2], sizes = [1], strides = [1]} : vector<16xi32> to vector<1xi32>
      %squeeze3A_634 = vector.extract %slice3A_633[0] : i32 from vector<1xi32>
      %add3A_635 = arith.constant 8 : i32
      %add3A_636 = arith.addi %add3A_624, %add3A_635 : i32
      %lt3A_637 = arith.constant 512 : i32
      %lt3A_638 = arith.cmpi slt, %add3A_636, %lt3A_637 : i32
      %convert_element_type3A_639 = arith.extui %lt3A_638 : i1 to i32
      %cond3A_640 = arith.constant 0 : i32
      %cond3A_641 = arith.cmpi ne, %convert_element_type3A_639, %cond3A_640 : i32
      scf.if %cond3A_641 {
        %shift_right_arithmetic3A_847 = arith.constant 7 : i32
        %shift_right_arithmetic3A_848 = arith.shrsi %squeeze3A_634, %shift_right_arithmetic3A_847 : i32
        %shift_left3A_849 = arith.constant 7 : i32
        %shift_left3A_850 = arith.shli %shift_right_arithmetic3A_848, %shift_left3A_849 : i32
        %multiple_of3A_851 = tpu.assume_multiple %shift_left3A_850, 128 : i32
        %dma_start3A_852 = arith.constant 2 : i32
        %dma_start3A_853 = arith.constant 2 : i32
        %dma_start3A_854 = arith.constant 0 : i32
        %dma_start3A_855 = arith.constant 0 : i32
        %dma_start3A_856 = tpu.memref_slice %arg6[%dma_start3A_852, %dma_start3A_854, %dma_start3A_855] : memref<8x32x128xf32, #tpu.memory_space<vmem>> -> memref<1x32x128xf32, #tpu.memory_space<vmem>>
        %dma_start3A_857 = tpu.memref_squeeze %dma_start3A_856 : memref<1x32x128xf32, #tpu.memory_space<vmem>> -> memref<32x128xf32, #tpu.memory_space<vmem>>
        %dma_start3A_858 = arith.constant 0 : i32
        %dma_start3A_859 = tpu.memref_slice %arg2[%dma_start3A_858, %multiple_of3A_851] : memref<32x1000000xf32, #tpu.memory_space<hbm>> -> memref<32x128xf32, #tpu.memory_space<hbm>>
        %dma_start3A_860 = tpu.memref_slice %arg8[%dma_start3A_853] : memref<8x!tpu.dma_semaphore, #tpu.memory_space<semaphore_mem>> -> memref<1x!tpu.dma_semaphore, #tpu.memory_space<semaphore_mem>>
        %dma_start3A_861 = tpu.memref_squeeze %dma_start3A_860 : memref<1x!tpu.dma_semaphore, #tpu.memory_space<semaphore_mem>> -> memref<!tpu.dma_semaphore, #tpu.memory_space<semaphore_mem>>
        %dma_start3A_862 = arith.constant 0 : i32
        %dma_start3A_863 = arith.constant 0 : i32
        %dma_start3A_864 = tpu.memref_slice %arg6[%dma_start3A_852, %dma_start3A_862, %dma_start3A_863] : memref<8x32x128xf32, #tpu.memory_space<vmem>> -> memref<1x32x128xf32, #tpu.memory_space<vmem>>
        %dma_start3A_865 = tpu.memref_squeeze %dma_start3A_864 : memref<1x32x128xf32, #tpu.memory_space<vmem>> -> memref<32x128xf32, #tpu.memory_space<vmem>>
        %dma_start3A_866 = arith.constant 0 : i32
        %dma_start3A_867 = tpu.memref_slice %arg2[%dma_start3A_866, %multiple_of3A_851] : memref<32x1000000xf32, #tpu.memory_space<hbm>> -> memref<32x128xf32, #tpu.memory_space<hbm>>
        tpu.enqueue_dma source(%dma_start3A_867 : memref<32x128xf32, #tpu.memory_space<hbm>>) target(%dma_start3A_865 : memref<32x128xf32, #tpu.memory_space<vmem>>) target_semaphore(%dma_start3A_861 : memref<!tpu.dma_semaphore, #tpu.memory_space<semaphore_mem>>)
      } else {
      }
      %dma_wait3A_642 = arith.constant 3 : i32
      %dma_wait3A_643 = arith.constant 3 : i32
      %dma_wait3A_644 = arith.constant 0 : i32
      %dma_wait3A_645 = arith.constant 0 : i32
      %dma_wait3A_646 = tpu.memref_slice %arg6[%dma_wait3A_642, %dma_wait3A_644, %dma_wait3A_645] : memref<8x32x128xf32, #tpu.memory_space<vmem>> -> memref<1x32x128xf32, #tpu.memory_space<vmem>>
      %dma_wait3A_647 = tpu.memref_squeeze %dma_wait3A_646 : memref<1x32x128xf32, #tpu.memory_space<vmem>> -> memref<32x128xf32, #tpu.memory_space<vmem>>
      %dma_wait3A_648 = arith.constant 0 : i32
      %dma_wait3A_649 = arith.constant 0 : i32
      %dma_wait3A_650 = tpu.memref_slice %arg2[%dma_wait3A_648, %dma_wait3A_649] : memref<32x1000000xf32, #tpu.memory_space<hbm>> -> memref<32x128xf32, #tpu.memory_space<hbm>>
      %dma_wait3A_651 = tpu.memref_slice %arg8[%dma_wait3A_643] : memref<8x!tpu.dma_semaphore, #tpu.memory_space<semaphore_mem>> -> memref<1x!tpu.dma_semaphore, #tpu.memory_space<semaphore_mem>>
      %dma_wait3A_652 = tpu.memref_squeeze %dma_wait3A_651 : memref<1x!tpu.dma_semaphore, #tpu.memory_space<semaphore_mem>> -> memref<!tpu.dma_semaphore, #tpu.memory_space<semaphore_mem>>
      %dma_wait3A_653 = arith.constant 0 : i32
      %dma_wait3A_654 = arith.constant 0 : i32
      %dma_wait3A_655 = tpu.memref_slice %arg6[%dma_wait3A_642, %dma_wait3A_653, %dma_wait3A_654] : memref<8x32x128xf32, #tpu.memory_space<vmem>> -> memref<1x32x128xf32, #tpu.memory_space<vmem>>
      %dma_wait3A_656 = tpu.memref_squeeze %dma_wait3A_655 : memref<1x32x128xf32, #tpu.memory_space<vmem>> -> memref<32x128xf32, #tpu.memory_space<vmem>>
      %dma_wait3A_657 = arith.constant 0 : i32
      %dma_wait3A_658 = arith.constant 0 : i32
      %dma_wait3A_659 = tpu.memref_slice %arg2[%dma_wait3A_657, %dma_wait3A_658] : memref<32x1000000xf32, #tpu.memory_space<hbm>> -> memref<32x128xf32, #tpu.memory_space<hbm>>
      tpu.wait_dma2 semaphore(%dma_wait3A_652 : memref<!tpu.dma_semaphore, #tpu.memory_space<semaphore_mem>>) src(%dma_wait3A_659 : memref<32x128xf32, #tpu.memory_space<hbm>>) dst(%dma_wait3A_656 : memref<32x128xf32, #tpu.memory_space<vmem>>)
      %slice3A_660 = vector.extract_strided_slice %scan3A_191 {offsets = [11], sizes = [1], strides = [1]} : vector<16xi32> to vector<1xi32>
      %squeeze3A_661 = vector.extract %slice3A_660[0] : i32 from vector<1xi32>
      %mul3A_662 = arith.constant 16 : i32
      %mul3A_663 = arith.muli %scan3A_190, %mul3A_662 : i32
      %add3A_664 = arith.constant 11 : i32
      %add3A_665 = arith.addi %mul3A_663, %add3A_664 : i32
      %and3A_666 = arith.constant 127 : i32
      %and3A_667 = arith.andi %squeeze3A_661, %and3A_666 : i32
      %broadcast_in_dim3A_668 = vector.broadcast %and3A_667 : i32 to vector<16xi32>
      %broadcast_in_dim3A_669 = arith.constant 3 : i32
      %broadcast_in_dim3A_670 = vector.broadcast %broadcast_in_dim3A_669 : i32 to vector<16xi32>
      %broadcast_in_dim3A_671 = vector.broadcast %add3A_665 : i32 to vector<16xi32>
      %gather3A_672 = tpu.vector_load_idx %arg6[%broadcast_in_dim3A_670, %iota3A, %broadcast_in_dim3A_668] : memref<8x32x128xf32, #tpu.memory_space<vmem>>[vector<16xi32>, vector<16xi32>, vector<16xi32>], vector<16xf32>,
      %gather3A_673 = tpu.vector_load_idx %arg6[%broadcast_in_dim3A_670, %add3A_5, %broadcast_in_dim3A_668] : memref<8x32x128xf32, #tpu.memory_space<vmem>>[vector<16xi32>, vector<16xi32>, vector<16xi32>], vector<16xf32>,
      tpu.vector_store_idx %arg7[%iota3A, %broadcast_in_dim3A_671], %gather3A_672 : memref<32x512xf32, #tpu.memory_space<vmem>>[vector<16xi32>, vector<16xi32>], vector<16xf32>,
      tpu.vector_store_idx %arg7[%add3A_5, %broadcast_in_dim3A_671], %gather3A_673 : memref<32x512xf32, #tpu.memory_space<vmem>>[vector<16xi32>, vector<16xi32>], vector<16xf32>,
      %slice3A_674 = vector.extract_strided_slice %get3A_197 {offsets = [3], sizes = [1], strides = [1]} : vector<16xi32> to vector<1xi32>
      %squeeze3A_675 = vector.extract %slice3A_674[0] : i32 from vector<1xi32>
      %add3A_676 = arith.constant 8 : i32
      %add3A_677 = arith.addi %add3A_665, %add3A_676 : i32
      %lt3A_678 = arith.constant 512 : i32
      %lt3A_679 = arith.cmpi slt, %add3A_677, %lt3A_678 : i32
      %convert_element_type3A_680 = arith.extui %lt3A_679 : i1 to i32
      %cond3A_681 = arith.constant 0 : i32
      %cond3A_682 = arith.cmpi ne, %convert_element_type3A_680, %cond3A_681 : i32
      scf.if %cond3A_682 {
        %shift_right_arithmetic3A_847 = arith.constant 7 : i32
        %shift_right_arithmetic3A_848 = arith.shrsi %squeeze3A_675, %shift_right_arithmetic3A_847 : i32
        %shift_left3A_849 = arith.constant 7 : i32
        %shift_left3A_850 = arith.shli %shift_right_arithmetic3A_848, %shift_left3A_849 : i32
        %multiple_of3A_851 = tpu.assume_multiple %shift_left3A_850, 128 : i32
        %dma_start3A_852 = arith.constant 3 : i32
        %dma_start3A_853 = arith.constant 3 : i32
        %dma_start3A_854 = arith.constant 0 : i32
        %dma_start3A_855 = arith.constant 0 : i32
        %dma_start3A_856 = tpu.memref_slice %arg6[%dma_start3A_852, %dma_start3A_854, %dma_start3A_855] : memref<8x32x128xf32, #tpu.memory_space<vmem>> -> memref<1x32x128xf32, #tpu.memory_space<vmem>>
        %dma_start3A_857 = tpu.memref_squeeze %dma_start3A_856 : memref<1x32x128xf32, #tpu.memory_space<vmem>> -> memref<32x128xf32, #tpu.memory_space<vmem>>
        %dma_start3A_858 = arith.constant 0 : i32
        %dma_start3A_859 = tpu.memref_slice %arg2[%dma_start3A_858, %multiple_of3A_851] : memref<32x1000000xf32, #tpu.memory_space<hbm>> -> memref<32x128xf32, #tpu.memory_space<hbm>>
        %dma_start3A_860 = tpu.memref_slice %arg8[%dma_start3A_853] : memref<8x!tpu.dma_semaphore, #tpu.memory_space<semaphore_mem>> -> memref<1x!tpu.dma_semaphore, #tpu.memory_space<semaphore_mem>>
        %dma_start3A_861 = tpu.memref_squeeze %dma_start3A_860 : memref<1x!tpu.dma_semaphore, #tpu.memory_space<semaphore_mem>> -> memref<!tpu.dma_semaphore, #tpu.memory_space<semaphore_mem>>
        %dma_start3A_862 = arith.constant 0 : i32
        %dma_start3A_863 = arith.constant 0 : i32
        %dma_start3A_864 = tpu.memref_slice %arg6[%dma_start3A_852, %dma_start3A_862, %dma_start3A_863] : memref<8x32x128xf32, #tpu.memory_space<vmem>> -> memref<1x32x128xf32, #tpu.memory_space<vmem>>
        %dma_start3A_865 = tpu.memref_squeeze %dma_start3A_864 : memref<1x32x128xf32, #tpu.memory_space<vmem>> -> memref<32x128xf32, #tpu.memory_space<vmem>>
        %dma_start3A_866 = arith.constant 0 : i32
        %dma_start3A_867 = tpu.memref_slice %arg2[%dma_start3A_866, %multiple_of3A_851] : memref<32x1000000xf32, #tpu.memory_space<hbm>> -> memref<32x128xf32, #tpu.memory_space<hbm>>
        tpu.enqueue_dma source(%dma_start3A_867 : memref<32x128xf32, #tpu.memory_space<hbm>>) target(%dma_start3A_865 : memref<32x128xf32, #tpu.memory_space<vmem>>) target_semaphore(%dma_start3A_861 : memref<!tpu.dma_semaphore, #tpu.memory_space<semaphore_mem>>)
      } else {
      }
      %dma_wait3A_683 = arith.constant 4 : i32
      %dma_wait3A_684 = arith.constant 4 : i32
      %dma_wait3A_685 = arith.constant 0 : i32
      %dma_wait3A_686 = arith.constant 0 : i32
      %dma_wait3A_687 = tpu.memref_slice %arg6[%dma_wait3A_683, %dma_wait3A_685, %dma_wait3A_686] : memref<8x32x128xf32, #tpu.memory_space<vmem>> -> memref<1x32x128xf32, #tpu.memory_space<vmem>>
      %dma_wait3A_688 = tpu.memref_squeeze %dma_wait3A_687 : memref<1x32x128xf32, #tpu.memory_space<vmem>> -> memref<32x128xf32, #tpu.memory_space<vmem>>
      %dma_wait3A_689 = arith.constant 0 : i32
      %dma_wait3A_690 = arith.constant 0 : i32
      %dma_wait3A_691 = tpu.memref_slice %arg2[%dma_wait3A_689, %dma_wait3A_690] : memref<32x1000000xf32, #tpu.memory_space<hbm>> -> memref<32x128xf32, #tpu.memory_space<hbm>>
      %dma_wait3A_692 = tpu.memref_slice %arg8[%dma_wait3A_684] : memref<8x!tpu.dma_semaphore, #tpu.memory_space<semaphore_mem>> -> memref<1x!tpu.dma_semaphore, #tpu.memory_space<semaphore_mem>>
      %dma_wait3A_693 = tpu.memref_squeeze %dma_wait3A_692 : memref<1x!tpu.dma_semaphore, #tpu.memory_space<semaphore_mem>> -> memref<!tpu.dma_semaphore, #tpu.memory_space<semaphore_mem>>
      %dma_wait3A_694 = arith.constant 0 : i32
      %dma_wait3A_695 = arith.constant 0 : i32
      %dma_wait3A_696 = tpu.memref_slice %arg6[%dma_wait3A_683, %dma_wait3A_694, %dma_wait3A_695] : memref<8x32x128xf32, #tpu.memory_space<vmem>> -> memref<1x32x128xf32, #tpu.memory_space<vmem>>
      %dma_wait3A_697 = tpu.memref_squeeze %dma_wait3A_696 : memref<1x32x128xf32, #tpu.memory_space<vmem>> -> memref<32x128xf32, #tpu.memory_space<vmem>>
      %dma_wait3A_698 = arith.constant 0 : i32
      %dma_wait3A_699 = arith.constant 0 : i32
      %dma_wait3A_700 = tpu.memref_slice %arg2[%dma_wait3A_698, %dma_wait3A_699] : memref<32x1000000xf32, #tpu.memory_space<hbm>> -> memref<32x128xf32, #tpu.memory_space<hbm>>
      tpu.wait_dma2 semaphore(%dma_wait3A_693 : memref<!tpu.dma_semaphore, #tpu.memory_space<semaphore_mem>>) src(%dma_wait3A_700 : memref<32x128xf32, #tpu.memory_space<hbm>>) dst(%dma_wait3A_697 : memref<32x128xf32, #tpu.memory_space<vmem>>)
      %slice3A_701 = vector.extract_strided_slice %scan3A_191 {offsets = [12], sizes = [1], strides = [1]} : vector<16xi32> to vector<1xi32>
      %squeeze3A_702 = vector.extract %slice3A_701[0] : i32 from vector<1xi32>
      %mul3A_703 = arith.constant 16 : i32
      %mul3A_704 = arith.muli %scan3A_190, %mul3A_703 : i32
      %add3A_705 = arith.constant 12 : i32
      %add3A_706 = arith.addi %mul3A_704, %add3A_705 : i32
      %and3A_707 = arith.constant 127 : i32
      %and3A_708 = arith.andi %squeeze3A_702, %and3A_707 : i32
      %broadcast_in_dim3A_709 = vector.broadcast %and3A_708 : i32 to vector<16xi32>
      %broadcast_in_dim3A_710 = arith.constant 4 : i32
      %broadcast_in_dim3A_711 = vector.broadcast %broadcast_in_dim3A_710 : i32 to vector<16xi32>
      %broadcast_in_dim3A_712 = vector.broadcast %add3A_706 : i32 to vector<16xi32>
      %gather3A_713 = tpu.vector_load_idx %arg6[%broadcast_in_dim3A_711, %iota3A, %broadcast_in_dim3A_709] : memref<8x32x128xf32, #tpu.memory_space<vmem>>[vector<16xi32>, vector<16xi32>, vector<16xi32>], vector<16xf32>,
      %gather3A_714 = tpu.vector_load_idx %arg6[%broadcast_in_dim3A_711, %add3A_5, %broadcast_in_dim3A_709] : memref<8x32x128xf32, #tpu.memory_space<vmem>>[vector<16xi32>, vector<16xi32>, vector<16xi32>], vector<16xf32>,
      tpu.vector_store_idx %arg7[%iota3A, %broadcast_in_dim3A_712], %gather3A_713 : memref<32x512xf32, #tpu.memory_space<vmem>>[vector<16xi32>, vector<16xi32>], vector<16xf32>,
      tpu.vector_store_idx %arg7[%add3A_5, %broadcast_in_dim3A_712], %gather3A_714 : memref<32x512xf32, #tpu.memory_space<vmem>>[vector<16xi32>, vector<16xi32>], vector<16xf32>,
      %slice3A_715 = vector.extract_strided_slice %get3A_197 {offsets = [4], sizes = [1], strides = [1]} : vector<16xi32> to vector<1xi32>
      %squeeze3A_716 = vector.extract %slice3A_715[0] : i32 from vector<1xi32>
      %add3A_717 = arith.constant 8 : i32
      %add3A_718 = arith.addi %add3A_706, %add3A_717 : i32
      %lt3A_719 = arith.constant 512 : i32
      %lt3A_720 = arith.cmpi slt, %add3A_718, %lt3A_719 : i32
      %convert_element_type3A_721 = arith.extui %lt3A_720 : i1 to i32
      %cond3A_722 = arith.constant 0 : i32
      %cond3A_723 = arith.cmpi ne, %convert_element_type3A_721, %cond3A_722 : i32
      scf.if %cond3A_723 {
        %shift_right_arithmetic3A_847 = arith.constant 7 : i32
        %shift_right_arithmetic3A_848 = arith.shrsi %squeeze3A_716, %shift_right_arithmetic3A_847 : i32
        %shift_left3A_849 = arith.constant 7 : i32
        %shift_left3A_850 = arith.shli %shift_right_arithmetic3A_848, %shift_left3A_849 : i32
        %multiple_of3A_851 = tpu.assume_multiple %shift_left3A_850, 128 : i32
        %dma_start3A_852 = arith.constant 4 : i32
        %dma_start3A_853 = arith.constant 4 : i32
        %dma_start3A_854 = arith.constant 0 : i32
        %dma_start3A_855 = arith.constant 0 : i32
        %dma_start3A_856 = tpu.memref_slice %arg6[%dma_start3A_852, %dma_start3A_854, %dma_start3A_855] : memref<8x32x128xf32, #tpu.memory_space<vmem>> -> memref<1x32x128xf32, #tpu.memory_space<vmem>>
        %dma_start3A_857 = tpu.memref_squeeze %dma_start3A_856 : memref<1x32x128xf32, #tpu.memory_space<vmem>> -> memref<32x128xf32, #tpu.memory_space<vmem>>
        %dma_start3A_858 = arith.constant 0 : i32
        %dma_start3A_859 = tpu.memref_slice %arg2[%dma_start3A_858, %multiple_of3A_851] : memref<32x1000000xf32, #tpu.memory_space<hbm>> -> memref<32x128xf32, #tpu.memory_space<hbm>>
        %dma_start3A_860 = tpu.memref_slice %arg8[%dma_start3A_853] : memref<8x!tpu.dma_semaphore, #tpu.memory_space<semaphore_mem>> -> memref<1x!tpu.dma_semaphore, #tpu.memory_space<semaphore_mem>>
        %dma_start3A_861 = tpu.memref_squeeze %dma_start3A_860 : memref<1x!tpu.dma_semaphore, #tpu.memory_space<semaphore_mem>> -> memref<!tpu.dma_semaphore, #tpu.memory_space<semaphore_mem>>
        %dma_start3A_862 = arith.constant 0 : i32
        %dma_start3A_863 = arith.constant 0 : i32
        %dma_start3A_864 = tpu.memref_slice %arg6[%dma_start3A_852, %dma_start3A_862, %dma_start3A_863] : memref<8x32x128xf32, #tpu.memory_space<vmem>> -> memref<1x32x128xf32, #tpu.memory_space<vmem>>
        %dma_start3A_865 = tpu.memref_squeeze %dma_start3A_864 : memref<1x32x128xf32, #tpu.memory_space<vmem>> -> memref<32x128xf32, #tpu.memory_space<vmem>>
        %dma_start3A_866 = arith.constant 0 : i32
        %dma_start3A_867 = tpu.memref_slice %arg2[%dma_start3A_866, %multiple_of3A_851] : memref<32x1000000xf32, #tpu.memory_space<hbm>> -> memref<32x128xf32, #tpu.memory_space<hbm>>
        tpu.enqueue_dma source(%dma_start3A_867 : memref<32x128xf32, #tpu.memory_space<hbm>>) target(%dma_start3A_865 : memref<32x128xf32, #tpu.memory_space<vmem>>) target_semaphore(%dma_start3A_861 : memref<!tpu.dma_semaphore, #tpu.memory_space<semaphore_mem>>)
      } else {
      }
      %dma_wait3A_724 = arith.constant 5 : i32
      %dma_wait3A_725 = arith.constant 5 : i32
      %dma_wait3A_726 = arith.constant 0 : i32
      %dma_wait3A_727 = arith.constant 0 : i32
      %dma_wait3A_728 = tpu.memref_slice %arg6[%dma_wait3A_724, %dma_wait3A_726, %dma_wait3A_727] : memref<8x32x128xf32, #tpu.memory_space<vmem>> -> memref<1x32x128xf32, #tpu.memory_space<vmem>>
      %dma_wait3A_729 = tpu.memref_squeeze %dma_wait3A_728 : memref<1x32x128xf32, #tpu.memory_space<vmem>> -> memref<32x128xf32, #tpu.memory_space<vmem>>
      %dma_wait3A_730 = arith.constant 0 : i32
      %dma_wait3A_731 = arith.constant 0 : i32
      %dma_wait3A_732 = tpu.memref_slice %arg2[%dma_wait3A_730, %dma_wait3A_731] : memref<32x1000000xf32, #tpu.memory_space<hbm>> -> memref<32x128xf32, #tpu.memory_space<hbm>>
      %dma_wait3A_733 = tpu.memref_slice %arg8[%dma_wait3A_725] : memref<8x!tpu.dma_semaphore, #tpu.memory_space<semaphore_mem>> -> memref<1x!tpu.dma_semaphore, #tpu.memory_space<semaphore_mem>>
      %dma_wait3A_734 = tpu.memref_squeeze %dma_wait3A_733 : memref<1x!tpu.dma_semaphore, #tpu.memory_space<semaphore_mem>> -> memref<!tpu.dma_semaphore, #tpu.memory_space<semaphore_mem>>
      %dma_wait3A_735 = arith.constant 0 : i32
      %dma_wait3A_736 = arith.constant 0 : i32
      %dma_wait3A_737 = tpu.memref_slice %arg6[%dma_wait3A_724, %dma_wait3A_735, %dma_wait3A_736] : memref<8x32x128xf32, #tpu.memory_space<vmem>> -> memref<1x32x128xf32, #tpu.memory_space<vmem>>
      %dma_wait3A_738 = tpu.memref_squeeze %dma_wait3A_737 : memref<1x32x128xf32, #tpu.memory_space<vmem>> -> memref<32x128xf32, #tpu.memory_space<vmem>>
      %dma_wait3A_739 = arith.constant 0 : i32
      %dma_wait3A_740 = arith.constant 0 : i32
      %dma_wait3A_741 = tpu.memref_slice %arg2[%dma_wait3A_739, %dma_wait3A_740] : memref<32x1000000xf32, #tpu.memory_space<hbm>> -> memref<32x128xf32, #tpu.memory_space<hbm>>
      tpu.wait_dma2 semaphore(%dma_wait3A_734 : memref<!tpu.dma_semaphore, #tpu.memory_space<semaphore_mem>>) src(%dma_wait3A_741 : memref<32x128xf32, #tpu.memory_space<hbm>>) dst(%dma_wait3A_738 : memref<32x128xf32, #tpu.memory_space<vmem>>)
      %slice3A_742 = vector.extract_strided_slice %scan3A_191 {offsets = [13], sizes = [1], strides = [1]} : vector<16xi32> to vector<1xi32>
      %squeeze3A_743 = vector.extract %slice3A_742[0] : i32 from vector<1xi32>
      %mul3A_744 = arith.constant 16 : i32
      %mul3A_745 = arith.muli %scan3A_190, %mul3A_744 : i32
      %add3A_746 = arith.constant 13 : i32
      %add3A_747 = arith.addi %mul3A_745, %add3A_746 : i32
      %and3A_748 = arith.constant 127 : i32
      %and3A_749 = arith.andi %squeeze3A_743, %and3A_748 : i32
      %broadcast_in_dim3A_750 = vector.broadcast %and3A_749 : i32 to vector<16xi32>
      %broadcast_in_dim3A_751 = arith.constant 5 : i32
      %broadcast_in_dim3A_752 = vector.broadcast %broadcast_in_dim3A_751 : i32 to vector<16xi32>
      %broadcast_in_dim3A_753 = vector.broadcast %add3A_747 : i32 to vector<16xi32>
      %gather3A_754 = tpu.vector_load_idx %arg6[%broadcast_in_dim3A_752, %iota3A, %broadcast_in_dim3A_750] : memref<8x32x128xf32, #tpu.memory_space<vmem>>[vector<16xi32>, vector<16xi32>, vector<16xi32>], vector<16xf32>,
      %gather3A_755 = tpu.vector_load_idx %arg6[%broadcast_in_dim3A_752, %add3A_5, %broadcast_in_dim3A_750] : memref<8x32x128xf32, #tpu.memory_space<vmem>>[vector<16xi32>, vector<16xi32>, vector<16xi32>], vector<16xf32>,
      tpu.vector_store_idx %arg7[%iota3A, %broadcast_in_dim3A_753], %gather3A_754 : memref<32x512xf32, #tpu.memory_space<vmem>>[vector<16xi32>, vector<16xi32>], vector<16xf32>,
      tpu.vector_store_idx %arg7[%add3A_5, %broadcast_in_dim3A_753], %gather3A_755 : memref<32x512xf32, #tpu.memory_space<vmem>>[vector<16xi32>, vector<16xi32>], vector<16xf32>,
      %slice3A_756 = vector.extract_strided_slice %get3A_197 {offsets = [5], sizes = [1], strides = [1]} : vector<16xi32> to vector<1xi32>
      %squeeze3A_757 = vector.extract %slice3A_756[0] : i32 from vector<1xi32>
      %add3A_758 = arith.constant 8 : i32
      %add3A_759 = arith.addi %add3A_747, %add3A_758 : i32
      %lt3A_760 = arith.constant 512 : i32
      %lt3A_761 = arith.cmpi slt, %add3A_759, %lt3A_760 : i32
      %convert_element_type3A_762 = arith.extui %lt3A_761 : i1 to i32
      %cond3A_763 = arith.constant 0 : i32
      %cond3A_764 = arith.cmpi ne, %convert_element_type3A_762, %cond3A_763 : i32
      scf.if %cond3A_764 {
        %shift_right_arithmetic3A_847 = arith.constant 7 : i32
        %shift_right_arithmetic3A_848 = arith.shrsi %squeeze3A_757, %shift_right_arithmetic3A_847 : i32
        %shift_left3A_849 = arith.constant 7 : i32
        %shift_left3A_850 = arith.shli %shift_right_arithmetic3A_848, %shift_left3A_849 : i32
        %multiple_of3A_851 = tpu.assume_multiple %shift_left3A_850, 128 : i32
        %dma_start3A_852 = arith.constant 5 : i32
        %dma_start3A_853 = arith.constant 5 : i32
        %dma_start3A_854 = arith.constant 0 : i32
        %dma_start3A_855 = arith.constant 0 : i32
        %dma_start3A_856 = tpu.memref_slice %arg6[%dma_start3A_852, %dma_start3A_854, %dma_start3A_855] : memref<8x32x128xf32, #tpu.memory_space<vmem>> -> memref<1x32x128xf32, #tpu.memory_space<vmem>>
        %dma_start3A_857 = tpu.memref_squeeze %dma_start3A_856 : memref<1x32x128xf32, #tpu.memory_space<vmem>> -> memref<32x128xf32, #tpu.memory_space<vmem>>
        %dma_start3A_858 = arith.constant 0 : i32
        %dma_start3A_859 = tpu.memref_slice %arg2[%dma_start3A_858, %multiple_of3A_851] : memref<32x1000000xf32, #tpu.memory_space<hbm>> -> memref<32x128xf32, #tpu.memory_space<hbm>>
        %dma_start3A_860 = tpu.memref_slice %arg8[%dma_start3A_853] : memref<8x!tpu.dma_semaphore, #tpu.memory_space<semaphore_mem>> -> memref<1x!tpu.dma_semaphore, #tpu.memory_space<semaphore_mem>>
        %dma_start3A_861 = tpu.memref_squeeze %dma_start3A_860 : memref<1x!tpu.dma_semaphore, #tpu.memory_space<semaphore_mem>> -> memref<!tpu.dma_semaphore, #tpu.memory_space<semaphore_mem>>
        %dma_start3A_862 = arith.constant 0 : i32
        %dma_start3A_863 = arith.constant 0 : i32
        %dma_start3A_864 = tpu.memref_slice %arg6[%dma_start3A_852, %dma_start3A_862, %dma_start3A_863] : memref<8x32x128xf32, #tpu.memory_space<vmem>> -> memref<1x32x128xf32, #tpu.memory_space<vmem>>
        %dma_start3A_865 = tpu.memref_squeeze %dma_start3A_864 : memref<1x32x128xf32, #tpu.memory_space<vmem>> -> memref<32x128xf32, #tpu.memory_space<vmem>>
        %dma_start3A_866 = arith.constant 0 : i32
        %dma_start3A_867 = tpu.memref_slice %arg2[%dma_start3A_866, %multiple_of3A_851] : memref<32x1000000xf32, #tpu.memory_space<hbm>> -> memref<32x128xf32, #tpu.memory_space<hbm>>
        tpu.enqueue_dma source(%dma_start3A_867 : memref<32x128xf32, #tpu.memory_space<hbm>>) target(%dma_start3A_865 : memref<32x128xf32, #tpu.memory_space<vmem>>) target_semaphore(%dma_start3A_861 : memref<!tpu.dma_semaphore, #tpu.memory_space<semaphore_mem>>)
      } else {
      }
      %dma_wait3A_765 = arith.constant 6 : i32
      %dma_wait3A_766 = arith.constant 6 : i32
      %dma_wait3A_767 = arith.constant 0 : i32
      %dma_wait3A_768 = arith.constant 0 : i32
      %dma_wait3A_769 = tpu.memref_slice %arg6[%dma_wait3A_765, %dma_wait3A_767, %dma_wait3A_768] : memref<8x32x128xf32, #tpu.memory_space<vmem>> -> memref<1x32x128xf32, #tpu.memory_space<vmem>>
      %dma_wait3A_770 = tpu.memref_squeeze %dma_wait3A_769 : memref<1x32x128xf32, #tpu.memory_space<vmem>> -> memref<32x128xf32, #tpu.memory_space<vmem>>
      %dma_wait3A_771 = arith.constant 0 : i32
      %dma_wait3A_772 = arith.constant 0 : i32
      %dma_wait3A_773 = tpu.memref_slice %arg2[%dma_wait3A_771, %dma_wait3A_772] : memref<32x1000000xf32, #tpu.memory_space<hbm>> -> memref<32x128xf32, #tpu.memory_space<hbm>>
      %dma_wait3A_774 = tpu.memref_slice %arg8[%dma_wait3A_766] : memref<8x!tpu.dma_semaphore, #tpu.memory_space<semaphore_mem>> -> memref<1x!tpu.dma_semaphore, #tpu.memory_space<semaphore_mem>>
      %dma_wait3A_775 = tpu.memref_squeeze %dma_wait3A_774 : memref<1x!tpu.dma_semaphore, #tpu.memory_space<semaphore_mem>> -> memref<!tpu.dma_semaphore, #tpu.memory_space<semaphore_mem>>
      %dma_wait3A_776 = arith.constant 0 : i32
      %dma_wait3A_777 = arith.constant 0 : i32
      %dma_wait3A_778 = tpu.memref_slice %arg6[%dma_wait3A_765, %dma_wait3A_776, %dma_wait3A_777] : memref<8x32x128xf32, #tpu.memory_space<vmem>> -> memref<1x32x128xf32, #tpu.memory_space<vmem>>
      %dma_wait3A_779 = tpu.memref_squeeze %dma_wait3A_778 : memref<1x32x128xf32, #tpu.memory_space<vmem>> -> memref<32x128xf32, #tpu.memory_space<vmem>>
      %dma_wait3A_780 = arith.constant 0 : i32
      %dma_wait3A_781 = arith.constant 0 : i32
      %dma_wait3A_782 = tpu.memref_slice %arg2[%dma_wait3A_780, %dma_wait3A_781] : memref<32x1000000xf32, #tpu.memory_space<hbm>> -> memref<32x128xf32, #tpu.memory_space<hbm>>
      tpu.wait_dma2 semaphore(%dma_wait3A_775 : memref<!tpu.dma_semaphore, #tpu.memory_space<semaphore_mem>>) src(%dma_wait3A_782 : memref<32x128xf32, #tpu.memory_space<hbm>>) dst(%dma_wait3A_779 : memref<32x128xf32, #tpu.memory_space<vmem>>)
      %slice3A_783 = vector.extract_strided_slice %scan3A_191 {offsets = [14], sizes = [1], strides = [1]} : vector<16xi32> to vector<1xi32>
      %squeeze3A_784 = vector.extract %slice3A_783[0] : i32 from vector<1xi32>
      %mul3A_785 = arith.constant 16 : i32
      %mul3A_786 = arith.muli %scan3A_190, %mul3A_785 : i32
      %add3A_787 = arith.constant 14 : i32
      %add3A_788 = arith.addi %mul3A_786, %add3A_787 : i32
      %and3A_789 = arith.constant 127 : i32
      %and3A_790 = arith.andi %squeeze3A_784, %and3A_789 : i32
      %broadcast_in_dim3A_791 = vector.broadcast %and3A_790 : i32 to vector<16xi32>
      %broadcast_in_dim3A_792 = arith.constant 6 : i32
      %broadcast_in_dim3A_793 = vector.broadcast %broadcast_in_dim3A_792 : i32 to vector<16xi32>
      %broadcast_in_dim3A_794 = vector.broadcast %add3A_788 : i32 to vector<16xi32>
      %gather3A_795 = tpu.vector_load_idx %arg6[%broadcast_in_dim3A_793, %iota3A, %broadcast_in_dim3A_791] : memref<8x32x128xf32, #tpu.memory_space<vmem>>[vector<16xi32>, vector<16xi32>, vector<16xi32>], vector<16xf32>,
      %gather3A_796 = tpu.vector_load_idx %arg6[%broadcast_in_dim3A_793, %add3A_5, %broadcast_in_dim3A_791] : memref<8x32x128xf32, #tpu.memory_space<vmem>>[vector<16xi32>, vector<16xi32>, vector<16xi32>], vector<16xf32>,
      tpu.vector_store_idx %arg7[%iota3A, %broadcast_in_dim3A_794], %gather3A_795 : memref<32x512xf32, #tpu.memory_space<vmem>>[vector<16xi32>, vector<16xi32>], vector<16xf32>,
      tpu.vector_store_idx %arg7[%add3A_5, %broadcast_in_dim3A_794], %gather3A_796 : memref<32x512xf32, #tpu.memory_space<vmem>>[vector<16xi32>, vector<16xi32>], vector<16xf32>,
      %slice3A_797 = vector.extract_strided_slice %get3A_197 {offsets = [6], sizes = [1], strides = [1]} : vector<16xi32> to vector<1xi32>
      %squeeze3A_798 = vector.extract %slice3A_797[0] : i32 from vector<1xi32>
      %add3A_799 = arith.constant 8 : i32
      %add3A_800 = arith.addi %add3A_788, %add3A_799 : i32
      %lt3A_801 = arith.constant 512 : i32
      %lt3A_802 = arith.cmpi slt, %add3A_800, %lt3A_801 : i32
      %convert_element_type3A_803 = arith.extui %lt3A_802 : i1 to i32
      %cond3A_804 = arith.constant 0 : i32
      %cond3A_805 = arith.cmpi ne, %convert_element_type3A_803, %cond3A_804 : i32
      scf.if %cond3A_805 {
        %shift_right_arithmetic3A_847 = arith.constant 7 : i32
        %shift_right_arithmetic3A_848 = arith.shrsi %squeeze3A_798, %shift_right_arithmetic3A_847 : i32
        %shift_left3A_849 = arith.constant 7 : i32
        %shift_left3A_850 = arith.shli %shift_right_arithmetic3A_848, %shift_left3A_849 : i32
        %multiple_of3A_851 = tpu.assume_multiple %shift_left3A_850, 128 : i32
        %dma_start3A_852 = arith.constant 6 : i32
        %dma_start3A_853 = arith.constant 6 : i32
        %dma_start3A_854 = arith.constant 0 : i32
        %dma_start3A_855 = arith.constant 0 : i32
        %dma_start3A_856 = tpu.memref_slice %arg6[%dma_start3A_852, %dma_start3A_854, %dma_start3A_855] : memref<8x32x128xf32, #tpu.memory_space<vmem>> -> memref<1x32x128xf32, #tpu.memory_space<vmem>>
        %dma_start3A_857 = tpu.memref_squeeze %dma_start3A_856 : memref<1x32x128xf32, #tpu.memory_space<vmem>> -> memref<32x128xf32, #tpu.memory_space<vmem>>
        %dma_start3A_858 = arith.constant 0 : i32
        %dma_start3A_859 = tpu.memref_slice %arg2[%dma_start3A_858, %multiple_of3A_851] : memref<32x1000000xf32, #tpu.memory_space<hbm>> -> memref<32x128xf32, #tpu.memory_space<hbm>>
        %dma_start3A_860 = tpu.memref_slice %arg8[%dma_start3A_853] : memref<8x!tpu.dma_semaphore, #tpu.memory_space<semaphore_mem>> -> memref<1x!tpu.dma_semaphore, #tpu.memory_space<semaphore_mem>>
        %dma_start3A_861 = tpu.memref_squeeze %dma_start3A_860 : memref<1x!tpu.dma_semaphore, #tpu.memory_space<semaphore_mem>> -> memref<!tpu.dma_semaphore, #tpu.memory_space<semaphore_mem>>
        %dma_start3A_862 = arith.constant 0 : i32
        %dma_start3A_863 = arith.constant 0 : i32
        %dma_start3A_864 = tpu.memref_slice %arg6[%dma_start3A_852, %dma_start3A_862, %dma_start3A_863] : memref<8x32x128xf32, #tpu.memory_space<vmem>> -> memref<1x32x128xf32, #tpu.memory_space<vmem>>
        %dma_start3A_865 = tpu.memref_squeeze %dma_start3A_864 : memref<1x32x128xf32, #tpu.memory_space<vmem>> -> memref<32x128xf32, #tpu.memory_space<vmem>>
        %dma_start3A_866 = arith.constant 0 : i32
        %dma_start3A_867 = tpu.memref_slice %arg2[%dma_start3A_866, %multiple_of3A_851] : memref<32x1000000xf32, #tpu.memory_space<hbm>> -> memref<32x128xf32, #tpu.memory_space<hbm>>
        tpu.enqueue_dma source(%dma_start3A_867 : memref<32x128xf32, #tpu.memory_space<hbm>>) target(%dma_start3A_865 : memref<32x128xf32, #tpu.memory_space<vmem>>) target_semaphore(%dma_start3A_861 : memref<!tpu.dma_semaphore, #tpu.memory_space<semaphore_mem>>)
      } else {
      }
      %dma_wait3A_806 = arith.constant 7 : i32
      %dma_wait3A_807 = arith.constant 7 : i32
      %dma_wait3A_808 = arith.constant 0 : i32
      %dma_wait3A_809 = arith.constant 0 : i32
      %dma_wait3A_810 = tpu.memref_slice %arg6[%dma_wait3A_806, %dma_wait3A_808, %dma_wait3A_809] : memref<8x32x128xf32, #tpu.memory_space<vmem>> -> memref<1x32x128xf32, #tpu.memory_space<vmem>>
      %dma_wait3A_811 = tpu.memref_squeeze %dma_wait3A_810 : memref<1x32x128xf32, #tpu.memory_space<vmem>> -> memref<32x128xf32, #tpu.memory_space<vmem>>
      %dma_wait3A_812 = arith.constant 0 : i32
      %dma_wait3A_813 = arith.constant 0 : i32
      %dma_wait3A_814 = tpu.memref_slice %arg2[%dma_wait3A_812, %dma_wait3A_813] : memref<32x1000000xf32, #tpu.memory_space<hbm>> -> memref<32x128xf32, #tpu.memory_space<hbm>>
      %dma_wait3A_815 = tpu.memref_slice %arg8[%dma_wait3A_807] : memref<8x!tpu.dma_semaphore, #tpu.memory_space<semaphore_mem>> -> memref<1x!tpu.dma_semaphore, #tpu.memory_space<semaphore_mem>>
      %dma_wait3A_816 = tpu.memref_squeeze %dma_wait3A_815 : memref<1x!tpu.dma_semaphore, #tpu.memory_space<semaphore_mem>> -> memref<!tpu.dma_semaphore, #tpu.memory_space<semaphore_mem>>
      %dma_wait3A_817 = arith.constant 0 : i32
      %dma_wait3A_818 = arith.constant 0 : i32
      %dma_wait3A_819 = tpu.memref_slice %arg6[%dma_wait3A_806, %dma_wait3A_817, %dma_wait3A_818] : memref<8x32x128xf32, #tpu.memory_space<vmem>> -> memref<1x32x128xf32, #tpu.memory_space<vmem>>
      %dma_wait3A_820 = tpu.memref_squeeze %dma_wait3A_819 : memref<1x32x128xf32, #tpu.memory_space<vmem>> -> memref<32x128xf32, #tpu.memory_space<vmem>>
      %dma_wait3A_821 = arith.constant 0 : i32
      %dma_wait3A_822 = arith.constant 0 : i32
      %dma_wait3A_823 = tpu.memref_slice %arg2[%dma_wait3A_821, %dma_wait3A_822] : memref<32x1000000xf32, #tpu.memory_space<hbm>> -> memref<32x128xf32, #tpu.memory_space<hbm>>
      tpu.wait_dma2 semaphore(%dma_wait3A_816 : memref<!tpu.dma_semaphore, #tpu.memory_space<semaphore_mem>>) src(%dma_wait3A_823 : memref<32x128xf32, #tpu.memory_space<hbm>>) dst(%dma_wait3A_820 : memref<32x128xf32, #tpu.memory_space<vmem>>)
      %slice3A_824 = vector.extract_strided_slice %scan3A_191 {offsets = [15], sizes = [1], strides = [1]} : vector<16xi32> to vector<1xi32>
      %squeeze3A_825 = vector.extract %slice3A_824[0] : i32 from vector<1xi32>
      %mul3A_826 = arith.constant 16 : i32
      %mul3A_827 = arith.muli %scan3A_190, %mul3A_826 : i32
      %add3A_828 = arith.constant 15 : i32
      %add3A_829 = arith.addi %mul3A_827, %add3A_828 : i32
      %and3A_830 = arith.constant 127 : i32
      %and3A_831 = arith.andi %squeeze3A_825, %and3A_830 : i32
      %broadcast_in_dim3A_832 = vector.broadcast %and3A_831 : i32 to vector<16xi32>
      %broadcast_in_dim3A_833 = arith.constant 7 : i32
      %broadcast_in_dim3A_834 = vector.broadcast %broadcast_in_dim3A_833 : i32 to vector<16xi32>
      %broadcast_in_dim3A_835 = vector.broadcast %add3A_829 : i32 to vector<16xi32>
      %gather3A_836 = tpu.vector_load_idx %arg6[%broadcast_in_dim3A_834, %iota3A, %broadcast_in_dim3A_832] : memref<8x32x128xf32, #tpu.memory_space<vmem>>[vector<16xi32>, vector<16xi32>, vector<16xi32>], vector<16xf32>,
      %gather3A_837 = tpu.vector_load_idx %arg6[%broadcast_in_dim3A_834, %add3A_5, %broadcast_in_dim3A_832] : memref<8x32x128xf32, #tpu.memory_space<vmem>>[vector<16xi32>, vector<16xi32>, vector<16xi32>], vector<16xf32>,
      tpu.vector_store_idx %arg7[%iota3A, %broadcast_in_dim3A_835], %gather3A_836 : memref<32x512xf32, #tpu.memory_space<vmem>>[vector<16xi32>, vector<16xi32>], vector<16xf32>,
      tpu.vector_store_idx %arg7[%add3A_5, %broadcast_in_dim3A_835], %gather3A_837 : memref<32x512xf32, #tpu.memory_space<vmem>>[vector<16xi32>, vector<16xi32>], vector<16xf32>,
      %slice3A_838 = vector.extract_strided_slice %get3A_197 {offsets = [7], sizes = [1], strides = [1]} : vector<16xi32> to vector<1xi32>
      %squeeze3A_839 = vector.extract %slice3A_838[0] : i32 from vector<1xi32>
      %add3A_840 = arith.constant 8 : i32
      %add3A_841 = arith.addi %add3A_829, %add3A_840 : i32
      %lt3A_842 = arith.constant 512 : i32
      %lt3A_843 = arith.cmpi slt, %add3A_841, %lt3A_842 : i32
      %convert_element_type3A_844 = arith.extui %lt3A_843 : i1 to i32
      %cond3A_845 = arith.constant 0 : i32
      %cond3A_846 = arith.cmpi ne, %convert_element_type3A_844, %cond3A_845 : i32
      scf.if %cond3A_846 {
        %shift_right_arithmetic3A_847 = arith.constant 7 : i32
        %shift_right_arithmetic3A_848 = arith.shrsi %squeeze3A_839, %shift_right_arithmetic3A_847 : i32
        %shift_left3A_849 = arith.constant 7 : i32
        %shift_left3A_850 = arith.shli %shift_right_arithmetic3A_848, %shift_left3A_849 : i32
        %multiple_of3A_851 = tpu.assume_multiple %shift_left3A_850, 128 : i32
        %dma_start3A_852 = arith.constant 7 : i32
        %dma_start3A_853 = arith.constant 7 : i32
        %dma_start3A_854 = arith.constant 0 : i32
        %dma_start3A_855 = arith.constant 0 : i32
        %dma_start3A_856 = tpu.memref_slice %arg6[%dma_start3A_852, %dma_start3A_854, %dma_start3A_855] : memref<8x32x128xf32, #tpu.memory_space<vmem>> -> memref<1x32x128xf32, #tpu.memory_space<vmem>>
        %dma_start3A_857 = tpu.memref_squeeze %dma_start3A_856 : memref<1x32x128xf32, #tpu.memory_space<vmem>> -> memref<32x128xf32, #tpu.memory_space<vmem>>
        %dma_start3A_858 = arith.constant 0 : i32
        %dma_start3A_859 = tpu.memref_slice %arg2[%dma_start3A_858, %multiple_of3A_851] : memref<32x1000000xf32, #tpu.memory_space<hbm>> -> memref<32x128xf32, #tpu.memory_space<hbm>>
        %dma_start3A_860 = tpu.memref_slice %arg8[%dma_start3A_853] : memref<8x!tpu.dma_semaphore, #tpu.memory_space<semaphore_mem>> -> memref<1x!tpu.dma_semaphore, #tpu.memory_space<semaphore_mem>>
        %dma_start3A_861 = tpu.memref_squeeze %dma_start3A_860 : memref<1x!tpu.dma_semaphore, #tpu.memory_space<semaphore_mem>> -> memref<!tpu.dma_semaphore, #tpu.memory_space<semaphore_mem>>
        %dma_start3A_862 = arith.constant 0 : i32
        %dma_start3A_863 = arith.constant 0 : i32
        %dma_start3A_864 = tpu.memref_slice %arg6[%dma_start3A_852, %dma_start3A_862, %dma_start3A_863] : memref<8x32x128xf32, #tpu.memory_space<vmem>> -> memref<1x32x128xf32, #tpu.memory_space<vmem>>
        %dma_start3A_865 = tpu.memref_squeeze %dma_start3A_864 : memref<1x32x128xf32, #tpu.memory_space<vmem>> -> memref<32x128xf32, #tpu.memory_space<vmem>>
        %dma_start3A_866 = arith.constant 0 : i32
        %dma_start3A_867 = tpu.memref_slice %arg2[%dma_start3A_866, %multiple_of3A_851] : memref<32x1000000xf32, #tpu.memory_space<hbm>> -> memref<32x128xf32, #tpu.memory_space<hbm>>
        tpu.enqueue_dma source(%dma_start3A_867 : memref<32x128xf32, #tpu.memory_space<hbm>>) target(%dma_start3A_865 : memref<32x128xf32, #tpu.memory_space<vmem>>) target_semaphore(%dma_start3A_861 : memref<!tpu.dma_semaphore, #tpu.memory_space<semaphore_mem>>)
      } else {
      }
      scf.yield %get3A_197 : vector<16xi32>
    }
    %scan3A_189 = arith.constant 32 : i32
    "tpu.region"() ({
      %run_scoped3A = tpu.sem_alloc : memref<!tpu.dma_semaphore, #tpu.memory_space<semaphore_mem>>
      %dma_start3A_190 = arith.constant 0 : i32
      %dma_start3A_191 = tpu.memref_slice %arg4[%dma_start3A_190, %mul3A_2] : memref<32x16384xf32, #tpu.memory_space<hbm>> -> memref<32x512xf32, #tpu.memory_space<hbm>>
      %dma_start3A_192 = arith.constant 0 : i32
      %dma_start3A_193 = tpu.memref_slice %arg4[%dma_start3A_192, %mul3A_2] : memref<32x16384xf32, #tpu.memory_space<hbm>> -> memref<32x512xf32, #tpu.memory_space<hbm>>
      tpu.enqueue_dma source(%arg7 : memref<32x512xf32, #tpu.memory_space<vmem>>) target(%dma_start3A_193 : memref<32x512xf32, #tpu.memory_space<hbm>>) target_semaphore(%run_scoped3A : memref<!tpu.dma_semaphore, #tpu.memory_space<semaphore_mem>>)
      %dma_wait3A = arith.constant 0 : i32
      %dma_wait3A_194 = tpu.memref_slice %arg4[%dma_wait3A, %mul3A_2] : memref<32x16384xf32, #tpu.memory_space<hbm>> -> memref<32x512xf32, #tpu.memory_space<hbm>>
      %dma_wait3A_195 = arith.constant 0 : i32
      %dma_wait3A_196 = tpu.memref_slice %arg4[%dma_wait3A_195, %mul3A_2] : memref<32x16384xf32, #tpu.memory_space<hbm>> -> memref<32x512xf32, #tpu.memory_space<hbm>>
      tpu.wait_dma2 semaphore(%run_scoped3A : memref<!tpu.dma_semaphore, #tpu.memory_space<semaphore_mem>>) src(%arg7 : memref<32x512xf32, #tpu.memory_space<vmem>>) dst(%dma_wait3A_196 : memref<32x512xf32, #tpu.memory_space<hbm>>)
      tpu.yield
    }) : () -> ()
    return
  }
}

</mosaic_0001>

<sc_bundles>
// kernel: _lookup.3.cloned.1.call-start
scs
__scs_entry_jumppad:
0x0: {  	(pc) =	sbr.rel $0x88, $3  }
0x1: {  	(tag) =	ssettag $0x0;
	lr =	simm.s32 $0x1  }
0x2: {  	[smem:$0x3F9F] =	sst lr;
	_ =	strace $0xD0000000  }
0x3: {  	_ = 	snop  }
0x4: {  	_ = 	snop  }
0x5: {  	_ = 	snop  }
0x6: {  	_ = 	snop  }
0x7: {  	_ = 	snop  }
__scs_overlays_trampoline_lowered:
0x8: {  	[smem:$0x3FAE] =	sst s0  }
0x9: {  	[smem:$0x3FAF] =	sst s1  }
0xa: {  	[smem:$0x3FB0] =	sst s2  }
0xb: {  	[smem:$0x3FB1] =	sst s3  }
0xc: {  	[smem:$0x3FB2] =	sst s4  }
0xd: {  	[smem:$0x3FB3] =	sst s5  }
0xe: {  	[smem:$0x3FB4] =	sst s6  }
0xf: {  	[smem:$0x3FB5] =	sst s7  }
0x10: {  	[smem:$0x3FB6] =	sst s8  }
0x11: {  	[smem:$0x3FB7] =	sst s9;
	s0 =	simm.s32 @!p0 $0x0  }
0x12: {  	s1 =	sld [smem:$0x3F9D];
	s0 =	simm.s32 @p0 $0x1  }
0x13: {  	[smem:$0x3FB8] =	sst s0;
	s0 =	simm.s32 @!p1 $0x0  }
0x14: {  	s2 =	sld [smem:$0x3F9C];
	s0 =	simm.s32 @p1 $0x1  }
0x15: {  	[smem:$0x3FB9] =	sst s0;
	s0 =	simm.s32 @!p2 $0x0  }
0x16: {  	s3 =	sld [smem:$0x3FDB];
	s0 =	simm.s32 @p2 $0x1  }
0x17: {  	s4 =	simm.s32 $0x1BF5;
	[smem:$0x3FBB] =	sst s0  }
0x18: {  	s0 =	sld [smem:$0x3F9E];
	_ =	swait.ge [sflag:s4], $0x0  }
0x19: {  	s7 =	sld [smem:$0x3F9F]  }
0x1a: {  	s8 =	sadd.s32 $0xFFFFE003, lr  }
0x1b: {  	s9 =	sadd.s32 $0xFFFFFEF7, lr;
	s5 =	simm.s32 $0xFFFFFFFF;
	p2 =	slt.u32 s8, $0xFFFFF086  }
0x1c: {  	p1 =	slt.u32 s9, $0xF7A;
	s5 =	simm.s32 @!p2 $0x0  }
0x1d: {  	s5 =	simm.s32 @p1 $0x1;
	p0 =	seq.s32 s7, s2  }
0x1e: {  	s7 =	smul.u32 @!p0 $0xF7A, s2;
	p2 =	seq.s32 @!p0 s5, $0x0  }
0x1f: {  	s9 =	smul.u32 $0xF7A, s1;
	s8 =	simm.s32 @!p0 $0x1BF5;
	p2 =	por !p2, p0  }
0x20: {  	[sflag:s8] =	ssyncset.s32 @!p0 $0xFFFFF086;
	s6 =	sadd.s32 @!p0 s3, s7;
	s7 =	simm.s32 @!p0 $0x108  }
0x21: {  	s3 =	sadd.s32 s3, s9;
	s6 =	sadd.s32 @!p0 $0x88, s6;
	s7 =	simm.s32 @p2 $0x1082  }
0x22: {  	[simem:s7], [sflag:s8] =	dma.local @!p0 [hbm:s6], $0xF7A  }
0x23: {  	s9 =	sor.u32 $0xD0000000, s2;
	s6 =	simm.s32 $0x108;
	_ =	swait.ge @!p0 [sflag:s8], $0x0  }
0x24: {  	s3 =	sadd.s32 $0x88, s3;
	s6 =	simm.s32 @!p1 $0x1082;
	[sflag:s4] =	ssyncset.s32 $0xFFFFF086  }
0x25: {  	[simem:s6], [sflag:s4] =	dma.local [hbm:s3], $0xF7A  }
0x26: {  	[smem:$0x3F9F] =	sst s1;
	(tag) =	ssettag s2;
	_ =	strace s9  }
0x27: {  	s1 =	sld [smem:$0x3FAF]  }
0x28: {  	s2 =	sld [smem:$0x3FB0]  }
0x29: {  	s4 =	sld [smem:$0x3FB2]  }
0x2a: {  	p0 =	seq.s32 s5, $0x0;
	s5 =	sld [smem:$0x3FB3]  }
0x2b: {  	s6 =	sld [smem:$0x3FB4]  }
0x2c: {  	s7 =	sld [smem:$0x3FB5]  }
0x2d: {  	s3 =	simm.s32 $0x108;
	s8 =	sld [smem:$0x3FB6]  }
0x2e: {  	s3 =	simm.s32 @!p0 $0x1082;
	s9 =	sld [smem:$0x3FB7]  }
0x2f: {  	lr =	sadd.s32 s0, s3;
	s0 =	sld [smem:$0x3FAE]  }
0x30: {  	s3 =	sld [smem:$0x3FB1]  }
0x31: {  	[smem:$0x3FBA] =	sst s10  }
0x32: {  	s10 =	sld [smem:$0x3FB8];
	_ =	sdelay $0x3  }
0x33: {  	p0 =	seq.s32 s10, $0x1;
	s10 =	sld [smem:$0x3FBA];
	_ =	sdelay $0x3  }
0x34: {  	[smem:$0x3FBA] =	sst s10  }
0x35: {  	s10 =	sld [smem:$0x3FB9];
	_ =	sdelay $0x3  }
0x36: {  	p1 =	seq.s32 s10, $0x1;
	s10 =	sld [smem:$0x3FBA];
	_ =	sdelay $0x3  }
0x37: {  	[smem:$0x3FBA] =	sst s10  }
0x38: {  	s10 =	sld [smem:$0x3FBB]  }
0x39: {  	_ = 	snop;
	(pc) =	sbr.ind lr, $3  }
0x3a: {  	_ = 	snop  }
0x3b: {  	_ = 	snop  }
0x3c: {  	p2 =	seq.s32 s10, $0x1;
	s10 =	sld [smem:$0x3FBA]  }
0x3d: {  	_ =	shalt  }
0x3e: {  	_ =	shalt  }
0x3f: {  	_ =	shalt  }
0x40: {  	_ =	shalt  }
0x41: {  	_ =	shalt  }
0x42: {  	_ =	shalt  }
0x43: {  	_ =	shalt  }
0x44: {  	_ =	shalt  }
0x45: {  	_ =	shalt  }
0x46: {  	_ =	shalt  }
0x47: {  	_ =	shalt  }
0x48: {  	_ =	shalt  }
0x49: {  	_ =	shalt  }
0x4a: {  	_ =	shalt  }
0x4b: {  	_ =	shalt  }
0x4c: {  	_ =	shalt  }
0x4d: {  	_ =	shalt  }
0x4e: {  	_ =	shalt  }
0x4f: {  	_ =	shalt  }
0x50: {  	_ =	shalt  }
0x51: {  	_ =	shalt  }
0x52: {  	_ =	shalt  }
0x53: {  	_ =	shalt  }
0x54: {  	_ =	shalt  }
0x55: {  	_ =	shalt  }
0x56: {  	_ =	shalt  }
0x57: {  	_ =	shalt  }
0x58: {  	_ =	shalt  }
0x59: {  	_ =	shalt  }
0x5a: {  	_ =	shalt  }
0x5b: {  	_ =	shalt  }
0x5c: {  	_ =	shalt  }
0x5d: {  	_ =	shalt  }
0x5e: {  	_ =	shalt  }
0x5f: {  	_ =	shalt  }
0x60: {  	_ =	shalt  }
0x61: {  	_ =	shalt  }
0x62: {  	_ =	shalt  }
0x63: {  	_ =	shalt  }
0x64: {  	_ =	shalt  }
0x65: {  	_ =	shalt  }
0x66: {  	_ =	shalt  }
0x67: {  	_ =	shalt  }
0x68: {  	_ =	shalt  }
0x69: {  	_ =	shalt  }
0x6a: {  	_ =	shalt  }
0x6b: {  	_ =	shalt  }
0x6c: {  	_ =	shalt  }
0x6d: {  	_ =	shalt  }
0x6e: {  	_ =	shalt  }
0x6f: {  	_ =	shalt  }
0x70: {  	_ =	shalt  }
0x71: {  	_ =	shalt  }
0x72: {  	_ =	shalt  }
0x73: {  	_ =	shalt  }
0x74: {  	_ =	shalt  }
0x75: {  	_ =	shalt  }
0x76: {  	_ =	shalt  }
0x77: {  	_ =	shalt  }
0x78: {  	_ =	shalt  }
0x79: {  	_ =	shalt  }
0x7a: {  	_ =	shalt  }
0x7b: {  	_ =	shalt  }
0x7c: {  	_ =	shalt  }
0x7d: {  	_ =	shalt  }
0x7e: {  	_ =	shalt  }
0x7f: {  	_ =	shalt  }
0x80: {  	_ =	shalt  }
0x81: {  	_ =	shalt  }
0x82: {  	_ =	shalt  }
0x83: {  	_ =	shalt  }
0x84: {  	_ =	shalt  }
0x85: {  	_ =	shalt  }
0x86: {  	_ =	shalt  }
0x87: {  	_ =	shalt  }
.Lfunc_end0:
.L_simem_size_0:
called_computation_lowered:
.L_overlay_start_0:
0x88: {  	s2 =	sld [smem:$0x3FD9]  }
0x89: {  	s3 =	sld [smem:$0x3FFE];
	_ =	sdelay $0x1  }
0x8a: {  	s1 =	srdreg.scid  }
0x8b: {  	s0 =	sand.u32 $0x1, s1  }
0x8c: {  	s18 =	sshll.u32 s0, $0xA;
	s2 =	sadd.s32 s3, s2  }
0x8d: {  	s2 =	sadd.s32 s2, s18  }
0x8e: {  	[smem:$0x3FC6] =	sst s2  }
0x8f: {  	_ = 	snop  }
0x90: {  	s2 =	sld [smem:$0x3FC9]  }
0x91: {  	s19 =	sld [smem:$0x3FC8]  }
0x92: {  	s4 =	sld [smem:$0x3FD0];
	(tm) =	ssettm $0x1  }
0x93: {  	s5 =	sld [smem:$0x3FFB];
	_ =	sdelay $0x3  }
0x94: {  	_ =	strace s5  }
0x95: {  	s5 =	sld [smem:$0x3FFC];
	_ =	sdelay $0x3  }
0x96: {  	_ =	strace s5  }
0x97: {  	s5 =	sld [smem:$0x3FFD];
	_ =	sdelay $0x3  }
0x98: {  	_ =	strace s5  }
0x99: {  	_ =	strace $0x8FFFFFFF  }
0x9a: {  	s20 =	sld [smem:$0x3FDB];
	_ =	sdelay $0x1  }
0x9b: {  	s6 =	simm.s32 $_scs_section_size  }
0x9c: {  	s7 =	simm.s32 $_size__tile_overlayer_lowered;
	s8 =	simm.s32 $_tile_overlayer_lowered  }
0x9d: {  	s23 =	simm.s32 $0x1BFF;
	s22 =	sshll.u32 s8, $0x1;
	s5 =	sadd.s32 s6, s20  }
0x9e: {  	s9 =	simm.s32 $0x0;
	s21 =	sshll.u32 s7, $0x1;
	s7 =	sadd.s32 s22, s5  }
0x9f: {  	[timem:s9], [sflag:s23] =	dma.local [hbm:s7], s21  }
0xa0: {  	_ =	swait.ge [sflag:s23], s21  }
0xa1: {  	s6 =	ssub.s32 $0x0, s21;
	[sflag:s23] =	ssyncset.done $0x0  }
0xa2: {  	[sflag:s23] =	ssyncadd.s32 s6;
	_ =	sdelay $0x1  }
0xa3: {  	s24 =	simm.s32 $0x1B8B  }
0xa4: {  	_ =	swait.ge [sflag:s24], $0x1  }
0xa5: {  	[sflag:s24] =	ssyncset.done $0x0  }
0xa6: {  	s25 =	simm.s32 $0x1B8E;
	[sflag:s24] =	ssyncadd.s32 $0xFFFFFFFF  }
0xa7: {  	s26 =	simm.s32 $execute0_lowered;
	[smem:$0x3FD2] =	sst s25  }
0xa8: {  	s6 =	sshll.u32 s26, $0x1;
	_ =	strace $0x80000046;
	[dreg:$0x1] =	wrdreg $0xFFFFFFFF  }
0xa9: {  	s28 =	simm.s32 $_size_execute0_lowered;
	s5 =	sadd.s32 s5, s6;
	[dreg:$0x0] =	wrdreg $0x0  }
0xaa: {  	s6 =	sshll.u32 s28, $0x1;
	[dreg:$0x2] =	wrdreg s5  }
0xab: {  	[dreg:$0x3] =	wrdreg s6  }
0xac: {  	[dreg:$0x4] =	wrdreg $0xC0  }
0xad: {  	_ =	task [dreg:s9], $0x5FFFF  }
0xae: {  	[dreg:$0x1] =	wrdreg $0xFFFFFFFF  }
0xaf: {  	[dreg:$0x0] =	wrdreg $0x60  }
0xb0: {  	[dreg:$0x2] =	wrdreg s2  }
0xb1: {  	[dreg:$0x3] =	wrdreg s19  }
0xb2: {  	[dreg:$0x4] =	wrdreg s4  }
0xb3: {  	[dreg:$0x5] =	wrdreg $0x9  }
0xb4: {  	_ =	task.clear_ibuf [dreg:s9], $0x6FFFF;
	_ =	strace $0x90000046  }
0xb5: {  	s29 =	simm.s32 $0x9;
	_ =	strace $0x80000048  }
0xb6: {  	_ =	swait.ge [sflag:s29], $0x1  }
0xb7: {  	[sflag:s29] =	ssyncadd.s32 $0xFFFFFFFF  }
0xb8: {  	_ =	strace $0x90000048  }
0xb9: {  	_ =	sfence  }
0xba: {  	s30 =	sld [smem:$0x0];
	_ =	sdelay $0x2  }
0xbb: {  	s31 =	sshll.u32 s1, $0xD;
	s1 =	sshrl.u32 s1, $0x2  }
0xbc: {  	s3 =	sand.u32 $0x4000, s31;
	s1 =	sadd.s32 s1, s30  }
0xbd: {  	s0 =	sor.u32 s3, s0;
	s1 =	sshll.u32 s1, $0x11  }
0xbe: {  	s0 =	sor.u32 s1, s0  }
0xbf: {  	s0 =	sadd.s32 $0x8F2B, s0  }
0xc0: {  	[sflag:s0] =	ssyncadd.remote.s32 $0x1  }
0xc1: {  	_ =	sfence.sel $0xFFFF  }
0xc2: {  	[dreg:$0x0] =	wrdreg $0xFFFFFFFF;
	(pc) =	sbr.abs _section_cstart, $3  }
0xc3: {  	[dreg:$0x1] =	wrdreg $0xFFFFFFFF  }
0xc4: {  	_ =	task.clear_ibuf [dreg:s9], $0x2FFFF;
	_ =	strace $0x9FFFFFFF  }
0xc5: {  	(tm) =	ssettm $0x7FFFFFFF  }
tec
execute0_lowered:
.L_overlay_start_1:
0x0: {  	(tag) =	ssettag $0x1  }
0x1: {  	v0 =	vlaneseq.u32  }
0x2: {  	v1 =	vimm.s32 $0x1380;
	vm0 =	vcmask $0x300;
	vm1 =	vcmask $0x704  }
0x3: {  	v2 =	vimm.s32 $0x3380;
	vm2 =	vcmask $0xB08;
	vm4 =	vcmask $0xF0C  }
0x4: {  	vm5 =	vcmask $0x1310;
	vm6 =	vcmask $0x1714;
	vm7 =	vcmask $0x1B18  }
0x5: {  	vm8 =	vcmask $0x1F1C;
	vm9 =	vcmask $0x2320;
	vm10 =	vcmask $0x2724  }
0x6: {  	vm11 =	vcmask $0x2B28;
	vm12 =	vcmask $0x2F2C;
	vm13 =	vcmask $0x3330  }
0x7: {  	s0 =	rddreg [dreg:$0x0];
	vm14 =	vcmask $0x3734;
	v1 =	vsel vm0, $0x0, v1;
	v2 =	vsel vm0, $0x2000, v2  }
0x8: {  	s1 =	rddreg [dreg:$0x1];
	v0 =	vmul.u32 $0x80, v0;
	v1 =	vsel vm1, $0x80, v1;
	v2 =	vsel vm1, $0x2080, v2  }
0x9: {  	s2 =	rddreg [dreg:$0x2];
	s3 =	srdreg.scid;
	vm15 =	vcmask $0x3B38;
	v1 =	vsel vm2, $0x100, v1;
	v2 =	vsel vm2, $0x2100, v2  }
0xa: {  	s4 =	stileid.u32;
	s6 =	simm.s32 $0x0;
	s9 =	simm.s32 $0x7A1400;
	v5 =	vor.u32 $0x1800, v0;
	v6 =	vor.u32 $0x2000, v0;
	v1 =	vsel vm4, $0x180, v1  }
0xb: {  	s8 =	simm.s32 $0x400;
	s10 =	simm.s32 $0x280;
	s13 =	simm.s32 $0x3280;
	v7 =	vor.u32 $0x2800, v0;
	v2 =	vsel vm4, $0x2180, v2;
	v1 =	vsel vm5, $0x200, v1  }
0xc: {  	s14 =	simm.s32 $0x4280;
	s15 =	simm.s32 $0x5280;
	s16 =	simm.s32 $0x6280;
	v8 =	vor.u32 $0x3000, v0;
	v2 =	vsel vm5, $0x2200, v2;
	v1 =	vsel vm6, $0x280, v1  }
0xd: {  	s17 =	simm.s32 $0x7280;
	s18 =	simm.s32 $0x1;
	s19 =	simm.s32 $0x8280;
	v9 =	vor.u32 $0x3800, v0;
	v2 =	vsel vm6, $0x2280, v2;
	v1 =	vsel vm7, $0x300, v1  }
0xe: {  	s20 =	simm.s32 $0x2;
	s21 =	simm.s32 $0x3;
	s22 =	simm.s32 $0x4;
	v10 =	vor.u32 $0x4000, v0;
	v2 =	vsel vm7, $0x2300, v2;
	v1 =	vsel vm8, $0x380, v1  }
0xf: {  	s23 =	simm.s32 $0x5;
	s24 =	simm.s32 $0x6;
	s25 =	simm.s32 $0x7;
	v11 =	vor.u32 $0x4800, v0;
	v2 =	vsel vm8, $0x2380, v2;
	v1 =	vsel vm9, $0x1000, v1  }
0x10: {  	s26 =	simm.s32 $0x8;
	s3 =	sand.u32 $0x1, s3;
	s4 =	sshll.u32 s4, $0xA;
	v12 =	vor.u32 $0x5000, v0;
	v2 =	vsel vm9, $0x3000, v2;
	v1 =	vsel vm10, $0x1080, v1  }
0x11: {  	[smem:$0x7FF] =	sst s6;
	s5 =	sshll.u32 s3, $0x9;
	s3 =	ssub.s32 $0x2, s3;
	v13 =	vor.u32 $0x5800, v0;
	v2 =	vsel vm10, $0x3080, v2;
	v1 =	vsel vm11, $0x1100, v1  }
0x12: {  	_ =	strace $0x80000047;
	s4 =	sor.u32 s5, s4;
	s28 =	sshrl.u32 s3, $0x1;
	v14 =	vor.u32 $0x6000, v0;
	v2 =	vsel vm11, $0x3100, v2;
	v1 =	vsel vm12, $0x1180, v1  }
0x13: {  	s5 =	simm.s32 $0x2280;
	v15 =	vor.u32 $0x6800, v0;
	s29 =	sshrl.u32 s4, $0x3;
	s30 =	sadd.s32 s2, s4;
	v2 =	vsel vm12, $0x3180, v2;
	v1 =	vsel vm13, $0x1200, v1  }
0x14: {  	v16 =	vor.u32 $0x7000, v0;
	s3 =	ssub.s32 s3, s28;
	s1 =	sadd.s32 s1, s29;
	[dreg:$0x5] =	wrdreg s30;
	v4 =	vsel vm13, $0x3200, v2;
	v3 =	vsel vm14, $0x1280, v1  }
0x15: {  	v17 =	vor.u32 $0x7800, v0;
	s4 =	simm.s32 $0x1280;
	s31 =	smax.u32 s3, $0x1;
	[dreg:$0x4] =	wrdreg s1;
	v2 =	vsel vm15, $0x1300, v3;
	v3 =	vsel vm14, $0x3280, v4  }
0x16: {  	s2 =	simm.s32 $0x0;
	s3 =	simm.s32 $0x9;
	[dreg:$0x6] =	wrdreg s31;
	v1 =	vor.u32 $0x800, v0;
	v4 =	vor.u32 $0x1000, v0;
	v3 =	vsel vm15, $0x3300, v3  }
.LBB2_1:
0x17: {  	[dreg:$0x7] =	wrdreg s2  }
0x18: {  	s1 =	simm.s32 $0x0;
	s11 =	rddreg [dreg:$0x4]  }
0x19: {  	[tilespmem:s1], [sflag:$0x9] =	stream.linear.gather [hbm4b:s11+s1], $0x200, $0x38;
	[tilespmem:$0xC280] =	vst v63  }
0x1a: {  	_ =	swait.ge [sflag:s3], $0x200  }
0x1b: {  	[sflag:s3] =	ssyncset.done $0x0  }
0x1c: {  	[sflag:s3] =	ssyncadd.s32 $0xFFFFFE00  }
0x1d: {  	v19 =	vld [tilespmem:$0x0];
	_ =	sdelay $0x4  }
0x1e: {  	(v2sf) =	vpush v19, $0x0  }
0x1f: {  	(v2sf) =	vpush v19, $0x1;
	_ =	sdelay $0x1  }
0x20: {  	(v2sf) =	vpush v19, $0x2;
	_ =	sdelay $0x4  }
0x21: {  	(v2sf) =	vpush v19, $0x3  }
0x22: {  	(v2sf) =	vpush v19, $0x4;
	_ =	sdelay $0x5  }
0x23: {  	s12 =	spop (v2sf);
	(v2sf) =	vpush v19, $0x5  }
0x24: {  	s28 =	spop (v2sf);
	(v2sf) =	vpush v19, $0x6  }
0x25: {  	s1 =	sand.u32 $0xFFFFF80, s12  }
0x26: {  	s1 =	sadd.s32 s0, s1;
	s29 =	spop (v2sf)  }
0x27: {  	(v2sf) =	vpush v19, $0x7;
	[tilespmem:s10], [sflag:$0x1] =	stream.strided.gather [hbm4b:s1+s8], $0x1000, s9, s8, $0x38;
	[tilespmem:$0xC280] =	vst v63  }
0x28: {  	s1 =	sand.u32 $0xFFFFF80, s28  }
0x29: {  	s1 =	sadd.s32 s0, s1  }
0x2a: {  	[tilespmem:s4], [sflag:$0x2] =	stream.strided.gather [hbm4b:s1+s8], $0x1000, s9, s8, $0x38;
	[tilespmem:$0xC280] =	vst v63  }
0x2b: {  	s30 =	spop (v2sf);
	s1 =	sand.u32 $0xFFFFF80, s29  }
0x2c: {  	s3 =	sand.u32 $0xFFFFF80, s30;
	s6 =	spop (v2sf);
	s1 =	sadd.s32 s0, s1  }
0x2d: {  	[tilespmem:s5], [sflag:$0x3] =	stream.strided.gather [hbm4b:s1+s8], $0x1000, s9, s8, $0x38;
	[tilespmem:$0xC280] =	vst v63  }
0x2e: {  	s7 =	sand.u32 $0xFFFFF80, s6;
	s1 =	sadd.s32 s0, s3  }
0x2f: {  	[tilespmem:s13], [sflag:$0x4] =	stream.strided.gather [hbm4b:s1+s8], $0x1000, s9, s8, $0x38;
	[tilespmem:$0xC280] =	vst v63  }
0x30: {  	s1 =	sadd.s32 s0, s7  }
0x31: {  	[tilespmem:s14], [sflag:$0x5] =	stream.strided.gather [hbm4b:s1+s8], $0x1000, s9, s8, $0x38;
	[tilespmem:$0xC280] =	vst v63  }
0x32: {  	s11 =	spop (v2sf)  }
0x33: {  	s12 =	sand.u32 $0xFFFFF80, s11;
	s28 =	spop (v2sf)  }
0x34: {  	s1 =	sadd.s32 s0, s12;
	s29 =	sand.u32 $0xFFFFF80, s28  }
0x35: {  	[tilespmem:s15], [sflag:$0x6] =	stream.strided.gather [hbm4b:s1+s8], $0x1000, s9, s8, $0x38;
	[tilespmem:$0xC280] =	vst v63  }
0x36: {  	s30 =	spop (v2sf);
	s1 =	sadd.s32 s0, s29  }
0x37: {  	[tilespmem:s16], [sflag:$0x7] =	stream.strided.gather [hbm4b:s1+s8], $0x1000, s9, s8, $0x38;
	[tilespmem:$0xC280] =	vst v63  }
0x38: {  	s1 =	sand.u32 $0xFFFFF80, s30  }
0x39: {  	s1 =	sadd.s32 s0, s1  }
0x3a: {  	[tilespmem:s17], [sflag:$0x8] =	stream.strided.gather [hbm4b:s1+s8], $0x1000, s9, s8, $0x38;
	[tilespmem:$0xC280] =	vst v63  }
0x3b: {  	s31 =	simm.s32 $0xF;
	s1 =	simm.s32 $0x10  }
.LBB2_2:
0x3c: {  	v18 =	vld [tilespmem:s1+$0x0];
	_ =	swait.ge [sflag:s18], $0x1000  }
0x3d: {  	(v2sf) =	vpush v19, $0x0;
	_ =	sdelay $0xa  }
0x3e: {  	(v2sf) =	vpush v19, $0x8;
	_ =	sdelay $0x3  }
0x3f: {  	s2 =	spop (v2sf)  }
0x40: {  	s2 =	sand.u32 $0x7F, s2  }
0x41: {  	s3 =	sadd.s32 $0xFFFFFFF1, s31;
	v20 =	vor.u32 s2, v0  }
0x42: {  	v21 =	vmov s3;
	v22 =	vor.u32 s2, v1  }
0x43: {  	v23 =	vshll.u32 v21, $0x3  }
0x44: {  	[sflag:s18] =	ssyncset.done $0x0;
	v21 =	vand.u32 $0x70, v21;
	v23 =	vand.u32 $0xC00, v23  }
0x45: {  	[sflag:s18] =	ssyncadd.s32 $0xFFFFF000;
	v21 =	vor.u32 v21, v23  }
0x46: {  	v23 =	vor.u32 v2, v21;
	v20 =	vld.idx.msk [tilespmem:v20+s10+$0x0], $0xffff  }
0x47: {  	v21 =	vor.u32 v3, v21;
	v22 =	vld.idx.msk [tilespmem:v22+s10+$0x0], $0xffff;
	_ =	sdelay $0x2  }
0x48: {  	s28 =	spop (v2sf)  }
0x49: {  	s3 =	sand.u32 $0xFFFFF80, s28;
	[tilespmem:v23+s19+$0x0] =	vst.idx.msk $0xffff, v20  }
0x4a: {  	s2 =	sadd.s32 s0, s3;
	[tilespmem:v21+s19+$0x0] =	vst.idx.msk $0xffff, v22  }
0x4b: {  	[tilespmem:s10], [sflag:$0x1] =	stream.strided.gather [hbm4b:s2+s8], $0x1000, s9, s8, $0x38;
	[tilespmem:$0xC280] =	vst v63  }
0x4c: {  	_ =	swait.ge [sflag:s20], $0x1000  }
0x4d: {  	(v2sf) =	vpush v19, $0x1;
	_ =	sdelay $0xa  }
0x4e: {  	(v2sf) =	vpush v19, $0x9;
	_ =	sdelay $0x3  }
0x4f: {  	s6 =	spop (v2sf)  }
0x50: {  	s2 =	sand.u32 $0x7F, s6  }
0x51: {  	s7 =	sadd.s32 $0xFFFFFFF2, s31;
	v20 =	vor.u32 s2, v4  }
0x52: {  	v28 =	vmov s7;
	v29 =	vor.u32 s2, v5  }
0x53: {  	v30 =	vshll.u32 v28, $0x3  }
0x54: {  	v23 =	vand.u32 $0xC00, v30;
	v21 =	vand.u32 $0x71, v28;
	[sflag:s20] =	ssyncset.done $0x0  }
0x55: {  	v21 =	vor.u32 v21, v23;
	[sflag:s20] =	ssyncadd.s32 $0xFFFFF000  }
0x56: {  	v23 =	vor.u32 v2, v21;
	v20 =	vld.idx.msk [tilespmem:v20+s10+$0x0], $0xffff  }
0x57: {  	v21 =	vor.u32 v3, v21;
	v22 =	vld.idx.msk [tilespmem:v29+s10+$0x0], $0xffff;
	_ =	sdelay $0x2  }
0x58: {  	s2 =	spop (v2sf)  }
0x59: {  	s11 =	sand.u32 $0xFFFFF80, s2;
	[tilespmem:v23+s19+$0x0] =	vst.idx.msk $0xffff, v20  }
0x5a: {  	s3 =	sadd.s32 s0, s11;
	[tilespmem:v21+s19+$0x0] =	vst.idx.msk $0xffff, v22  }
0x5b: {  	[tilespmem:s4], [sflag:$0x2] =	stream.strided.gather [hbm4b:s3+s8], $0x1000, s9, s8, $0x38;
	[tilespmem:$0xC280] =	vst v63  }
0x5c: {  	_ =	swait.ge [sflag:s21], $0x1000  }
0x5d: {  	(v2sf) =	vpush v19, $0x2;
	_ =	sdelay $0xa  }
0x5e: {  	(v2sf) =	vpush v19, $0xA;
	_ =	sdelay $0x3  }
0x5f: {  	s12 =	spop (v2sf)  }
0x60: {  	s3 =	sand.u32 $0x7F, s12  }
0x61: {  	s29 =	sadd.s32 $0xFFFFFFF3, s31;
	v20 =	vor.u32 s3, v6  }
0x62: {  	v31 =	vmov s29;
	v32 =	vor.u32 s3, v7  }
0x63: {  	v33 =	vshll.u32 v31, $0x3  }
0x64: {  	v23 =	vand.u32 $0xC00, v33;
	v21 =	vand.u32 $0x72, v31;
	[sflag:s21] =	ssyncset.done $0x0  }
0x65: {  	v21 =	vor.u32 v21, v23;
	[sflag:s21] =	ssyncadd.s32 $0xFFFFF000  }
0x66: {  	v23 =	vor.u32 v2, v21;
	v20 =	vld.idx.msk [tilespmem:v20+s10+$0x0], $0xffff  }
0x67: {  	v21 =	vor.u32 v3, v21;
	v22 =	vld.idx.msk [tilespmem:v32+s10+$0x0], $0xffff;
	_ =	sdelay $0x2  }
0x68: {  	s3 =	spop (v2sf)  }
0x69: {  	s30 =	sand.u32 $0xFFFFF80, s3;
	[tilespmem:v23+s19+$0x0] =	vst.idx.msk $0xffff, v20  }
0x6a: {  	s4 =	sadd.s32 s0, s30;
	[tilespmem:v21+s19+$0x0] =	vst.idx.msk $0xffff, v22  }
0x6b: {  	[tilespmem:s5], [sflag:$0x3] =	stream.strided.gather [hbm4b:s4+s8], $0x1000, s9, s8, $0x38;
	[tilespmem:$0xC280] =	vst v63  }
0x6c: {  	_ =	swait.ge [sflag:s22], $0x1000  }
0x6d: {  	(v2sf) =	vpush v19, $0x3;
	_ =	sdelay $0xa  }
0x6e: {  	(v2sf) =	vpush v19, $0xB;
	_ =	sdelay $0x3  }
0x6f: {  	s6 =	spop (v2sf)  }
0x70: {  	s4 =	sand.u32 $0x7F, s6  }
0x71: {  	s7 =	sadd.s32 $0xFFFFFFF4, s31;
	v20 =	vor.u32 s4, v8  }
0x72: {  	v34 =	vmov s7;
	v35 =	vor.u32 s4, v9  }
0x73: {  	v36 =	vshll.u32 v34, $0x3  }
0x74: {  	v23 =	vand.u32 $0xC00, v36;
	v21 =	vand.u32 $0x73, v34;
	[sflag:s22] =	ssyncset.done $0x0  }
0x75: {  	v21 =	vor.u32 v21, v23;
	[sflag:s22] =	ssyncadd.s32 $0xFFFFF000  }
0x76: {  	v23 =	vor.u32 v2, v21;
	v20 =	vld.idx.msk [tilespmem:v20+s10+$0x0], $0xffff  }
0x77: {  	v21 =	vor.u32 v3, v21;
	v22 =	vld.idx.msk [tilespmem:v35+s10+$0x0], $0xffff;
	_ =	sdelay $0x2  }
0x78: {  	s29 =	spop (v2sf)  }
0x79: {  	s11 =	sand.u32 $0xFFFFF80, s29;
	[tilespmem:v23+s19+$0x0] =	vst.idx.msk $0xffff, v20  }
0x7a: {  	s4 =	sadd.s32 s0, s11;
	[tilespmem:v21+s19+$0x0] =	vst.idx.msk $0xffff, v22  }
0x7b: {  	[tilespmem:s13], [sflag:$0x4] =	stream.strided.gather [hbm4b:s4+s8], $0x1000, s9, s8, $0x38;
	[tilespmem:$0xC280] =	vst v63  }
0x7c: {  	_ =	swait.ge [sflag:s23], $0x1000  }
0x7d: {  	(v2sf) =	vpush v19, $0x4;
	_ =	sdelay $0xa  }
0x7e: {  	(v2sf) =	vpush v19, $0xC;
	_ =	sdelay $0x3  }
0x7f: {  	s12 =	spop (v2sf)  }
0x80: {  	s4 =	sand.u32 $0x7F, s12  }
0x81: {  	s30 =	sadd.s32 $0xFFFFFFF5, s31;
	v20 =	vor.u32 s4, v10  }
0x82: {  	v37 =	vmov s30;
	v38 =	vor.u32 s4, v11  }
0x83: {  	v39 =	vshll.u32 v37, $0x3  }
0x84: {  	v23 =	vand.u32 $0xC00, v39;
	v21 =	vand.u32 $0x74, v37;
	[sflag:s23] =	ssyncset.done $0x0  }
0x85: {  	v21 =	vor.u32 v21, v23;
	[sflag:s23] =	ssyncadd.s32 $0xFFFFF000  }
0x86: {  	v23 =	vor.u32 v2, v21;
	v20 =	vld.idx.msk [tilespmem:v20+s10+$0x0], $0xffff  }
0x87: {  	v21 =	vor.u32 v3, v21;
	v22 =	vld.idx.msk [tilespmem:v38+s10+$0x0], $0xffff;
	_ =	sdelay $0x2  }
0x88: {  	s4 =	spop (v2sf)  }
0x89: {  	s6 =	sand.u32 $0xFFFFF80, s4;
	[tilespmem:v23+s19+$0x0] =	vst.idx.msk $0xffff, v20  }
0x8a: {  	s5 =	sadd.s32 s0, s6;
	[tilespmem:v21+s19+$0x0] =	vst.idx.msk $0xffff, v22  }
0x8b: {  	[tilespmem:s14], [sflag:$0x5] =	stream.strided.gather [hbm4b:s5+s8], $0x1000, s9, s8, $0x38;
	[tilespmem:$0xC280] =	vst v63  }
0x8c: {  	_ =	swait.ge [sflag:s24], $0x1000  }
0x8d: {  	(v2sf) =	vpush v19, $0x5;
	_ =	sdelay $0xa  }
0x8e: {  	(v2sf) =	vpush v19, $0xD;
	_ =	sdelay $0x3  }
0x8f: {  	s7 =	spop (v2sf)  }
0x90: {  	s5 =	sand.u32 $0x7F, s7  }
0x91: {  	s6 =	sadd.s32 $0xFFFFFFF6, s31;
	v20 =	vor.u32 s5, v12  }
0x92: {  	v40 =	vmov s6;
	v41 =	vor.u32 s5, v13  }
0x93: {  	v42 =	vshll.u32 v40, $0x3  }
0x94: {  	v23 =	vand.u32 $0xC00, v42;
	v21 =	vand.u32 $0x75, v40;
	[sflag:s24] =	ssyncset.done $0x0  }
0x95: {  	v21 =	vor.u32 v21, v23;
	[sflag:s24] =	ssyncadd.s32 $0xFFFFF000  }
0x96: {  	v23 =	vor.u32 v2, v21;
	v20 =	vld.idx.msk [tilespmem:v20+s10+$0x0], $0xffff  }
0x97: {  	v21 =	vor.u32 v3, v21;
	v22 =	vld.idx.msk [tilespmem:v41+s10+$0x0], $0xffff;
	_ =	sdelay $0x2  }
0x98: {  	s5 =	spop (v2sf)  }
0x99: {  	s11 =	sand.u32 $0xFFFFF80, s5;
	[tilespmem:v23+s19+$0x0] =	vst.idx.msk $0xffff, v20  }
0x9a: {  	s6 =	sadd.s32 s0, s11;
	[tilespmem:v21+s19+$0x0] =	vst.idx.msk $0xffff, v22  }
0x9b: {  	[tilespmem:s15], [sflag:$0x6] =	stream.strided.gather [hbm4b:s6+s8], $0x1000, s9, s8, $0x38;
	[tilespmem:$0xC280] =	vst v63  }
0x9c: {  	_ =	swait.ge [sflag:s25], $0x1000  }
0x9d: {  	(v2sf) =	vpush v19, $0x6;
	_ =	sdelay $0xa  }
0x9e: {  	(v2sf) =	vpush v19, $0xE;
	_ =	sdelay $0x3  }
0x9f: {  	s12 =	spop (v2sf)  }
0xa0: {  	s6 =	sand.u32 $0x7F, s12  }
0xa1: {  	s7 =	sadd.s32 $0xFFFFFFF7, s31;
	v20 =	vor.u32 s6, v14  }
0xa2: {  	v43 =	vmov s7;
	v44 =	vor.u32 s6, v15  }
0xa3: {  	v45 =	vshll.u32 v43, $0x3  }
0xa4: {  	v23 =	vand.u32 $0xC00, v45;
	v21 =	vand.u32 $0x76, v43;
	[sflag:s25] =	ssyncset.done $0x0  }
0xa5: {  	v21 =	vor.u32 v21, v23;
	[sflag:s25] =	ssyncadd.s32 $0xFFFFF000  }
0xa6: {  	v23 =	vor.u32 v2, v21;
	v20 =	vld.idx.msk [tilespmem:v20+s10+$0x0], $0xffff  }
0xa7: {  	v21 =	vor.u32 v3, v21;
	v22 =	vld.idx.msk [tilespmem:v44+s10+$0x0], $0xffff;
	_ =	sdelay $0x2  }
0xa8: {  	s6 =	spop (v2sf)  }
0xa9: {  	s30 =	sand.u32 $0xFFFFF80, s6;
	[tilespmem:v23+s19+$0x0] =	vst.idx.msk $0xffff, v20  }
0xaa: {  	s7 =	sadd.s32 s0, s30;
	[tilespmem:v21+s19+$0x0] =	vst.idx.msk $0xffff, v22  }
0xab: {  	[tilespmem:s16], [sflag:$0x7] =	stream.strided.gather [hbm4b:s7+s8], $0x1000, s9, s8, $0x38;
	[tilespmem:$0xC280] =	vst v63  }
0xac: {  	_ =	swait.ge [sflag:s26], $0x1000  }
0xad: {  	(v2sf) =	vpush v19, $0x7;
	_ =	sdelay $0xa  }
0xae: {  	(v2sf) =	vpush v19, $0xF;
	_ =	sdelay $0x3  }
0xaf: {  	s11 =	spop (v2sf)  }
0xb0: {  	s7 =	sand.u32 $0x7F, s11  }
0xb1: {  	s30 =	sadd.s32 $0xFFFFFFF8, s31;
	v19 =	vor.u32 s7, v16  }
0xb2: {  	v20 =	vmov s30;
	v46 =	vor.u32 s7, v17  }
0xb3: {  	v47 =	vshll.u32 v20, $0x3  }
0xb4: {  	v20 =	vand.u32 $0x77, v20;
	v22 =	vand.u32 $0xC00, v47;
	[sflag:s26] =	ssyncset.done $0x0  }
0xb5: {  	v20 =	vor.u32 v20, v22;
	[sflag:s26] =	ssyncadd.s32 $0xFFFFF000  }
0xb6: {  	v22 =	vor.u32 v2, v20;
	v19 =	vld.idx.msk [tilespmem:v19+s10+$0x0], $0xffff  }
0xb7: {  	v20 =	vor.u32 v3, v20;
	v21 =	vld.idx.msk [tilespmem:v46+s10+$0x0], $0xffff;
	_ =	sdelay $0x2  }
0xb8: {  	s7 =	spop (v2sf)  }
0xb9: {  	s12 =	sand.u32 $0xFFFFF80, s7;
	[tilespmem:v22+s19+$0x0] =	vst.idx.msk $0xffff, v19  }
0xba: {  	s30 =	sadd.s32 s0, s12;
	[tilespmem:v20+s19+$0x0] =	vst.idx.msk $0xffff, v21  }
0xbb: {  	[tilespmem:s17], [sflag:$0x8] =	stream.strided.gather [hbm4b:s30+s8], $0x1000, s9, s8, $0x38;
	[tilespmem:$0xC280] =	vst v63  }
0xbc: {  	p0 =	seq.s32 s31, $0x1FF;
	_ =	swait.ge [sflag:s18], $0x1000  }
0xbd: {  	(v2sf) =	vpush @!p0 v18, $0x0;
	_ =	sdelay $0x4  }
0xbe: {  	s28 =	sand.u32 $0x7F, s28  }
0xbf: {  	s11 =	sadd.s32 $0xFFFFFFF9, s31;
	v19 =	vor.u32 s28, v0  }
0xc0: {  	v48 =	vor.u32 s28, v1;
	v20 =	vmov s11  }
0xc1: {  	v49 =	vshll.u32 v20, $0x3  }
0xc2: {  	v20 =	vand.u32 $0x78, v20;
	v22 =	vand.u32 $0xC00, v49;
	[sflag:s18] =	ssyncset.done $0x0  }
0xc3: {  	v20 =	vor.u32 v20, v22;
	[sflag:s18] =	ssyncadd.s32 $0xFFFFF000  }
0xc4: {  	v22 =	vor.u32 v2, v20;
	v19 =	vld.idx.msk [tilespmem:v19+s10+$0x0], $0xffff  }
0xc5: {  	v20 =	vor.u32 v3, v20;
	v21 =	vld.idx.msk [tilespmem:v48+s10+$0x0], $0xffff;
	_ =	sdelay $0x2  }
0xc6: {  	s28 =	spop @!p0 (v2sf)  }
0xc7: {  	s12 =	simm.s32 @!p0 $0x280;
	[tilespmem:v22+s19+$0x0] =	vst.idx.msk $0xffff, v19;
	s28 =	sand.u32 @!p0 $0xFFFFF80, s28  }
0xc8: {  	s30 =	simm.s32 @!p0 $0x7A1400;
	[tilespmem:v20+s19+$0x0] =	vst.idx.msk $0xffff, v21;
	s11 =	sadd.s32 @!p0 s0, s28;
	s28 =	simm.s32 @!p0 $0x400  }
0xc9: {  	[tilespmem:s12], [sflag:$0x1] =	stream.strided.gather @!p0 [hbm4b:s11+s28], $0x1000, s30, s28, $0x38;
	[tilespmem:$0xC280] =	vst v63  }
0xca: {  	_ =	swait.ge [sflag:s20], $0x1000  }
0xcb: {  	(v2sf) =	vpush @!p0 v18, $0x1;
	_ =	sdelay $0x4  }
0xcc: {  	s2 =	sand.u32 $0x7F, s2  }
0xcd: {  	v19 =	vor.u32 s2, v4;
	s12 =	sadd.s32 $0xFFFFFFFA, s31  }
0xce: {  	v50 =	vor.u32 s2, v5;
	v20 =	vmov s12  }
0xcf: {  	v51 =	vshll.u32 v20, $0x3  }
0xd0: {  	[sflag:s20] =	ssyncset.done $0x0;
	v20 =	vand.u32 $0x79, v20;
	v22 =	vand.u32 $0xC00, v51  }
0xd1: {  	[sflag:s20] =	ssyncadd.s32 $0xFFFFF000;
	v20 =	vor.u32 v20, v22  }
0xd2: {  	v19 =	vld.idx.msk [tilespmem:v19+s10+$0x0], $0xffff;
	v22 =	vor.u32 v2, v20  }
0xd3: {  	v21 =	vld.idx.msk [tilespmem:v50+s10+$0x0], $0xffff;
	v20 =	vor.u32 v3, v20;
	_ =	sdelay $0x2  }
0xd4: {  	s2 =	spop @!p0 (v2sf)  }
0xd5: {  	[tilespmem:v22+s19+$0x0] =	vst.idx.msk $0xffff, v19;
	s2 =	sand.u32 @!p0 $0xFFFFF80, s2  }
0xd6: {  	s11 =	simm.s32 @!p0 $0x1280;
	[tilespmem:v20+s19+$0x0] =	vst.idx.msk $0xffff, v21;
	s2 =	sadd.s32 @!p0 s0, s2  }
0xd7: {  	[tilespmem:s11], [sflag:$0x2] =	stream.strided.gather @!p0 [hbm4b:s2+s28], $0x1000, s30, s28, $0x38;
	[tilespmem:$0xC280] =	vst v63  }
0xd8: {  	_ =	swait.ge [sflag:s21], $0x1000  }
0xd9: {  	(v2sf) =	vpush @!p0 v18, $0x2;
	_ =	sdelay $0x4  }
0xda: {  	s11 =	sand.u32 $0x7F, s3  }
0xdb: {  	s12 =	sadd.s32 $0xFFFFFFFB, s31;
	v19 =	vor.u32 s11, v6  }
0xdc: {  	v20 =	vmov s12;
	v52 =	vor.u32 s11, v7  }
0xdd: {  	v53 =	vshll.u32 v20, $0x3  }
0xde: {  	v20 =	vand.u32 $0x7A, v20;
	v22 =	vand.u32 $0xC00, v53;
	[sflag:s21] =	ssyncset.done $0x0  }
0xdf: {  	v20 =	vor.u32 v20, v22;
	[sflag:s21] =	ssyncadd.s32 $0xFFFFF000  }
0xe0: {  	v22 =	vor.u32 v2, v20;
	v19 =	vld.idx.msk [tilespmem:v19+s10+$0x0], $0xffff  }
0xe1: {  	v20 =	vor.u32 v3, v20;
	v21 =	vld.idx.msk [tilespmem:v52+s10+$0x0], $0xffff;
	_ =	sdelay $0x2  }
0xe2: {  	s2 =	spop @!p0 (v2sf)  }
0xe3: {  	[tilespmem:v22+s19+$0x0] =	vst.idx.msk $0xffff, v19;
	s2 =	sand.u32 @!p0 $0xFFFFF80, s2  }
0xe4: {  	s3 =	simm.s32 @!p0 $0x2280;
	[tilespmem:v20+s19+$0x0] =	vst.idx.msk $0xffff, v21;
	s2 =	sadd.s32 @!p0 s0, s2  }
0xe5: {  	[tilespmem:s3], [sflag:$0x3] =	stream.strided.gather @!p0 [hbm4b:s2+s28], $0x1000, s30, s28, $0x38;
	[tilespmem:$0xC280] =	vst v63  }
0xe6: {  	_ =	swait.ge [sflag:s22], $0x1000  }
0xe7: {  	(v2sf) =	vpush @!p0 v18, $0x3;
	_ =	sdelay $0x4  }
0xe8: {  	s11 =	sand.u32 $0x7F, s29  }
0xe9: {  	s12 =	sadd.s32 $0xFFFFFFFC, s31;
	v19 =	vor.u32 s11, v8  }
0xea: {  	v54 =	vor.u32 s11, v9;
	v20 =	vmov s12  }
0xeb: {  	v55 =	vshll.u32 v20, $0x3  }
0xec: {  	v20 =	vand.u32 $0x7B, v20;
	v22 =	vand.u32 $0xC00, v55;
	[sflag:s22] =	ssyncset.done $0x0  }
0xed: {  	v20 =	vor.u32 v20, v22;
	[sflag:s22] =	ssyncadd.s32 $0xFFFFF000  }
0xee: {  	v22 =	vor.u32 v2, v20;
	v19 =	vld.idx.msk [tilespmem:v19+s10+$0x0], $0xffff  }
0xef: {  	v20 =	vor.u32 v3, v20;
	v21 =	vld.idx.msk [tilespmem:v54+s10+$0x0], $0xffff;
	_ =	sdelay $0x2  }
0xf0: {  	s2 =	spop @!p0 (v2sf)  }
0xf1: {  	[tilespmem:v22+s19+$0x0] =	vst.idx.msk $0xffff, v19;
	s2 =	sand.u32 @!p0 $0xFFFFF80, s2  }
0xf2: {  	s3 =	simm.s32 @!p0 $0x3280;
	[tilespmem:v20+s19+$0x0] =	vst.idx.msk $0xffff, v21;
	s2 =	sadd.s32 @!p0 s0, s2  }
0xf3: {  	[tilespmem:s3], [sflag:$0x4] =	stream.strided.gather @!p0 [hbm4b:s2+s28], $0x1000, s30, s28, $0x38;
	[tilespmem:$0xC280] =	vst v63  }
0xf4: {  	_ =	swait.ge [sflag:s23], $0x1000  }
0xf5: {  	(v2sf) =	vpush @!p0 v18, $0x4;
	_ =	sdelay $0x4  }
0xf6: {  	s29 =	sand.u32 $0x7F, s4  }
0xf7: {  	s11 =	sadd.s32 $0xFFFFFFFD, s31;
	v19 =	vor.u32 s29, v10  }
0xf8: {  	v56 =	vor.u32 s29, v11;
	v20 =	vmov s11  }
0xf9: {  	v57 =	vshll.u32 v20, $0x3  }
0xfa: {  	v20 =	vand.u32 $0x7C, v20;
	v22 =	vand.u32 $0xC00, v57;
	[sflag:s23] =	ssyncset.done $0x0  }
0xfb: {  	v20 =	vor.u32 v20, v22;
	[sflag:s23] =	ssyncadd.s32 $0xFFFFF000  }
0xfc: {  	v22 =	vor.u32 v2, v20;
	v19 =	vld.idx.msk [tilespmem:v19+s10+$0x0], $0xffff  }
0xfd: {  	v20 =	vor.u32 v3, v20;
	v21 =	vld.idx.msk [tilespmem:v56+s10+$0x0], $0xffff;
	_ =	sdelay $0x2  }
0xfe: {  	s2 =	spop @!p0 (v2sf)  }
0xff: {  	[tilespmem:v22+s19+$0x0] =	vst.idx.msk $0xffff, v19;
	s2 =	sand.u32 @!p0 $0xFFFFF80, s2  }
0x100: {  	s3 =	simm.s32 @!p0 $0x4280;
	[tilespmem:v20+s19+$0x0] =	vst.idx.msk $0xffff, v21;
	s2 =	sadd.s32 @!p0 s0, s2  }
0x101: {  	[tilespmem:s3], [sflag:$0x5] =	stream.strided.gather @!p0 [hbm4b:s2+s28], $0x1000, s30, s28, $0x38;
	[tilespmem:$0xC280] =	vst v63  }
0x102: {  	_ =	swait.ge [sflag:s24], $0x1000  }
0x103: {  	(v2sf) =	vpush @!p0 v18, $0x5;
	_ =	sdelay $0x4  }
0x104: {  	s12 =	sand.u32 $0x7F, s5  }
0x105: {  	s29 =	sadd.s32 $0xFFFFFFFE, s31;
	v19 =	vor.u32 s12, v12  }
0x106: {  	v58 =	vor.u32 s12, v13;
	v20 =	vmov s29  }
0x107: {  	v59 =	vshll.u32 v20, $0x3  }
0x108: {  	v20 =	vand.u32 $0x7D, v20;
	v22 =	vand.u32 $0xC00, v59;
	[sflag:s24] =	ssyncset.done $0x0  }
0x109: {  	v20 =	vor.u32 v20, v22;
	[sflag:s24] =	ssyncadd.s32 $0xFFFFF000  }
0x10a: {  	v22 =	vor.u32 v2, v20;
	v19 =	vld.idx.msk [tilespmem:v19+s10+$0x0], $0xffff  }
0x10b: {  	v20 =	vor.u32 v3, v20;
	v21 =	vld.idx.msk [tilespmem:v58+s10+$0x0], $0xffff;
	_ =	sdelay $0x2  }
0x10c: {  	s2 =	spop @!p0 (v2sf)  }
0x10d: {  	[tilespmem:v22+s19+$0x0] =	vst.idx.msk $0xffff, v19;
	s2 =	sand.u32 @!p0 $0xFFFFF80, s2  }
0x10e: {  	s3 =	simm.s32 @!p0 $0x5280;
	[tilespmem:v20+s19+$0x0] =	vst.idx.msk $0xffff, v21;
	s2 =	sadd.s32 @!p0 s0, s2  }
0x10f: {  	[tilespmem:s3], [sflag:$0x6] =	stream.strided.gather @!p0 [hbm4b:s2+s28], $0x1000, s30, s28, $0x38;
	[tilespmem:$0xC280] =	vst v63  }
0x110: {  	_ =	swait.ge [sflag:s25], $0x1000  }
0x111: {  	(v2sf) =	vpush @!p0 v18, $0x6;
	_ =	sdelay $0x4  }
0x112: {  	s11 =	sand.u32 $0x7F, s6  }
0x113: {  	s12 =	sadd.s32 $0xFFFFFFFF, s31;
	v19 =	vor.u32 s11, v14  }
0x114: {  	v60 =	vor.u32 s11, v15;
	v20 =	vmov s12  }
0x115: {  	v61 =	vshll.u32 v20, $0x3  }
0x116: {  	v20 =	vand.u32 $0x7E, v20;
	v22 =	vand.u32 $0xC00, v61;
	[sflag:s25] =	ssyncset.done $0x0  }
0x117: {  	v20 =	vor.u32 v20, v22;
	[sflag:s25] =	ssyncadd.s32 $0xFFFFF000  }
0x118: {  	v22 =	vor.u32 v2, v20;
	v19 =	vld.idx.msk [tilespmem:v19+s10+$0x0], $0xffff  }
0x119: {  	v20 =	vor.u32 v3, v20;
	v21 =	vld.idx.msk [tilespmem:v60+s10+$0x0], $0xffff;
	_ =	sdelay $0x2  }
0x11a: {  	s2 =	spop @!p0 (v2sf)  }
0x11b: {  	[tilespmem:v22+s19+$0x0] =	vst.idx.msk $0xffff, v19;
	s2 =	sand.u32 @!p0 $0xFFFFF80, s2  }
0x11c: {  	s3 =	simm.s32 @!p0 $0x6280;
	[tilespmem:v20+s19+$0x0] =	vst.idx.msk $0xffff, v21;
	s2 =	sadd.s32 @!p0 s0, s2  }
0x11d: {  	[tilespmem:s3], [sflag:$0x7] =	stream.strided.gather @!p0 [hbm4b:s2+s28], $0x1000, s30, s28, $0x38;
	[tilespmem:$0xC280] =	vst v63  }
0x11e: {  	_ =	swait.ge [sflag:s26], $0x1000  }
0x11f: {  	(v2sf) =	vpush @!p0 v18, $0x7;
	_ =	sdelay $0x4  }
0x120: {  	s29 =	sand.u32 $0x7F, s7  }
0x121: {  	v19 =	vor.u32 s29, v16  }
0x122: {  	v62 =	vor.u32 s29, v17;
	v20 =	vmov s31  }
0x123: {  	v63 =	vshll.u32 v20, $0x3  }
0x124: {  	v20 =	vand.u32 $0x7F, v20;
	v22 =	vand.u32 $0xC00, v63;
	[sflag:s26] =	ssyncset.done $0x0  }
0x125: {  	v20 =	vor.u32 v20, v22;
	[sflag:s26] =	ssyncadd.s32 $0xFFFFF000  }
0x126: {  	s31 =	sadd.s32 @!p0 $0x10, s31;
	v22 =	vor.u32 v2, v20;
	v19 =	vld.idx.msk [tilespmem:v19+s10+$0x0], $0xffff  }
0x127: {  	p1 =	sne.s32 @!p0 s31, $0x20F;
	v20 =	vor.u32 v3, v20;
	v21 =	vld.idx.msk [tilespmem:v62+s10+$0x0], $0xffff  }
0x128: {  	p1 =	por p0, !p1  }
.Ltmp0:
0x129: {  	_ = 	snop;
	(pc) =	sbr.rel @!p1 .LBB2_2-.Ltmp0, $4  }
0x12a: {  	s2 =	spop @!p0 (v2sf)  }
0x12b: {  	s1 =	sadd.s32 @!p0 $0x10, s1;
	s4 =	simm.s32 $0x1280;
	[tilespmem:v22+s19+$0x0] =	vst.idx.msk $0xffff, v19;
	s2 =	sand.u32 @!p0 $0xFFFFF80, s2  }
0x12c: {  	s5 =	simm.s32 $0x2280;
	s3 =	simm.s32 @!p0 $0x7280;
	[tilespmem:v20+s19+$0x0] =	vst.idx.msk $0xffff, v21;
	s2 =	sadd.s32 @!p0 s0, s2  }
0x12d: {  	v19 =	vmov v18;
	[tilespmem:s3], [sflag:$0x8] =	stream.strided.gather @!p0 [hbm4b:s2+s28], $0x1000, s30, s28, $0x38;
	[tilespmem:$0xC280] =	vst v63  }
0x12e: {  	s1 =	rddreg [dreg:$0x5];
	s2 =	simm.s32 $0x1000;
	s3 =	simm.s32 $0x20000  }
0x12f: {  	[hbm4b:s1+s2] =	stream.strided.scatter [tilespmem:s19], [sflag:$0x9], $0x4000, s3, s2, $0x38;
	[tilespmem:$0xC280] =	vst v63  }
0x130: {  	s3 =	simm.s32 $0x9  }
0x131: {  	_ =	swait.ge [sflag:s3], $0x4000  }
0x132: {  	s30 =	rddreg [dreg:$0x7]  }
0x133: {  	s31 =	rddreg [dreg:$0x6];
	s2 =	sadd.s32 $0x1, s30  }
0x134: {  	p0 =	sne.s32 s2, s31  }
.Ltmp1:
0x135: {  	_ = 	snop;
	(pc) =	sbr.rel @p0 .LBB2_1-.Ltmp1, $3  }
0x136: {  	_ =	sdelay $0x1  }
0x137: {  	[sflag:s3] =	ssyncset.done $0x0  }
0x138: {  	[sflag:s3] =	ssyncadd.s32 $0xFFFFC000  }
0x139: {  	_ =	sfence.sel $0x180000  }
0x13a: {  	[bflag:$0x0] =	sbarrier.arrive $0xFFFF  }
0x13b: {  	_ =	strace $0x90000047  }
0x13c: {  	s0 =	stileid.u32;
	[bflag:$0x2] =	sbarrier.arrive $0xFFFF  }
0x13d: {  	p0 =	sne.s32 s0, $0x0;
	s0 =	rddreg [dreg:$0x3]  }
0x13e: {  	s0 =	sadd.s32 @!p0 $0x100000, s0  }
0x13f: {  	[sflag:s0] =	ssyncadd.tile.s32 @!p0 $0x1;
	_ =	shalt  }
.Lfunc_end2:
_tile_overlayer_lowered:
.L_overlay_start_2:
0x140: {  	(tag) =	ssettag $0x2  }
0x141: {  	s0 =	rddreg [dreg:$0x0];
	s2 =	stileid.u32  }
0x142: {  	s1 =	rddreg [dreg:$0x1];
	p0 =	sne.s32 s2, $0x0  }
0x143: {  	s3 =	rddreg [dreg:$0x2];
	[bflag:$0x3] =	sbarrier.arrive $0xFFFF;
	s2 =	simm.s32 @!p0 $0x1C09  }
0x144: {  	[timem:s3], [sflag:s2] =	dma.local @!p0 [hbm:s0], s1  }
0x145: {  	s0 =	simm.s32 @!p0 $0x9  }
0x146: {  	_ =	swait.ge @!p0 [sflag:s0], s1  }
0x147: {  	s1 =	ssub.s32 @!p0 $0x0, s1;
	[sflag:s0] =	ssyncset.done @!p0 $0x0  }
0x148: {  	[sflag:s0] =	ssyncadd.s32 @!p0 s1  }
0x149: {  	[bflag:$0x3] =	sbarrier.arrive $0xFFFF  }
0x14a: {  	_ =	shalt  }

</sc_bundles>
